<compile_context>
chip_gen: v7x
topology: tpu7x:2x2x1
jax: 0.10.2.dev20260603
libtpu: 0.0.44.dev20260713+nightly
codegen_flags: <defaults>
</compile_context>

<pallas_src>
import jax
import jax.numpy as jnp
from jax import lax
from jax.experimental import pallas as pl
from jax.experimental.pallas import tpu as pltpu
from jax.experimental.pallas import tpu_sc as plsc

_NC, _NS, _L = 2, 16, 16
_NW = _NC * _NS
_ROWS, _COLS = 16384, 200
_RPER = _ROWS // _NW
_RCH = 64
_NCHUNK = _RPER // _RCH
_NVEC = _RCH * _COLS // _L
_TBL = 128


def _sc_body(conv_hbm, sp_hbm, out_hbm, conv_v, in0, in1, out0, out1,
             si0, si1, so0, so1):
    c = lax.axis_index("c")
    s = lax.axis_index("s")
    row0 = (s * _NC + c) * _RPER
    pltpu.sync_copy(conv_hbm, conv_v)
    ins, outs = (in0, in1), (out0, out1)
    isems, osems = (si0, si1), (so0, so1)
    in_cp = [None, None]
    out_cp = [None, None]
    lane = lax.iota(jnp.int32, _L)
    zero_v = jnp.zeros((_L,), jnp.int32)
    in_cp[0] = pltpu.async_copy(sp_hbm.at[pl.ds(row0, _RCH), :], ins[0], isems[0])
    for g in range(_NCHUNK):
        b = g & 1
        nb = b ^ 1
        if g + 1 < _NCHUNK:
            in_cp[nb] = pltpu.async_copy(
                sp_hbm.at[pl.ds(row0 + (g + 1) * _RCH, _RCH), :], ins[nb], isems[nb])
        in_cp[b].wait()
        if out_cp[b] is not None:
            out_cp[b].wait()

        @plsc.parallel_loop(0, _NVEC, step=1, unroll=4, carry=(zero_v, lane))
        def _(i, carry, _ib=ins[b], _ob=outs[b]):
            r, cc = carry
            sp = plsc.load_gather(_ib, [r, cc])
            plsc.store_scatter(_ob, [r, cc], plsc.load_gather(conv_v, [sp]))
            c2 = cc + _L
            wrap = c2 >= _COLS
            return (jnp.where(wrap, r + 1, r),
                    jnp.where(wrap, c2 - _COLS, c2))

        out_cp[b] = pltpu.async_copy(
            outs[b], out_hbm.at[pl.ds(row0 + g * _RCH, _RCH), :], osems[b])
    for b in range(2):
        if out_cp[b] is not None:
            out_cp[b].wait()


def kernel(species, coordinates, conv_tensor):
    conv = jnp.zeros((_TBL,), conv_tensor.dtype).at[:conv_tensor.shape[0]].set(conv_tensor)
    lookup = pl.kernel(
        _sc_body,
        out_type=jax.ShapeDtypeStruct(species.shape, species.dtype),
        mesh=plsc.VectorSubcoreMesh(
            core_axis_name="c", subcore_axis_name="s",
            num_cores=_NC, num_subcores=_NS),
        scratch_types=[
            pltpu.VMEM((_TBL,), jnp.int32),
            pltpu.VMEM((_RCH, _COLS), jnp.int32),
            pltpu.VMEM((_RCH, _COLS), jnp.int32),
            pltpu.VMEM((_RCH, _COLS), jnp.int32),
            pltpu.VMEM((_RCH, _COLS), jnp.int32),
            pltpu.SemaphoreType.DMA,
            pltpu.SemaphoreType.DMA,
            pltpu.SemaphoreType.DMA,
            pltpu.SemaphoreType.DMA,
        ],
        compiler_params=pltpu.CompilerParams(needs_layout_passes=False),
    )
    out = lookup(conv, species)
    one = (conv_tensor[1] == 1).astype(coordinates.dtype)
    return out, coordinates * one

# --- scband reference (transcript-rebuilt; emitter-appended) ---
"""Pipeline reference for scband-species-converter-3942779977746 (READ-ONLY COPY).

The authoritative reference and input builder live on the scoring server;
editing this copy changes nothing except your own understanding.
"""

import jax, jax.numpy as jnp
import numpy as np

PERIODIC_TABLE = ['Dummy'] + ('H He Li Be B C N O F Ne Na Mg Al Si P S Cl Ar K Ca Sc Ti V Cr Mn Fe Co Ni Cu Zn '
 'Ga Ge As Se Br Kr Rb Sr Y Zr Nb Mo Tc Ru Rh Pd Ag Cd In Sn Sb Te I Xe Cs Ba La Ce Pr Nd Pm Sm Eu Gd '
 'Tb Dy Ho Er Tm Yb Lu Hf Ta W Re Os Ir Pt Au Hg Tl Pb Bi Po At Rn Fr Ra Ac Th Pa U Np Pu Am Cm Bk Cf '
 'Es Fm Md No Lr Rf Db Sg Bh Hs Mt Ds Rg Cn Nh Fl Mc Lv Ts Og').split()
SPECIES = ['Dummy', 'H', 'He', 'Li', 'Be', 'B', 'C', 'N']

def build_conv_tensor():
    rev_idx = {s: k for k, s in enumerate(PERIODIC_TABLE)}
    maxidx = max(rev_idx.values())
    conv = np.full((maxidx + 2,), -1, dtype=np.int64)
    for i, s in enumerate(SPECIES):
        conv[rev_idx[s]] = i
    return jnp.asarray(conv)

def setup_inputs(seed: int = 0) -> dict:
    key = jax.random.key(seed)
    k1, k2 = jax.random.split(key)
    species = jax.random.randint(k1, (16384, 200), 0, 8, dtype=jnp.int64)
    coordinates = jax.random.normal(k2, (16384, 200, 3), dtype=jnp.float32)
    return {'species': species, 'coordinates': coordinates, 'conv_tensor': build_conv_tensor()}

def reference(species, coordinates, conv_tensor):
    # converted_species = conv_tensor[species]  (gather / embedding-style lookup)
    converted_species = jnp.take(conv_tensor, species, axis=0)
    # the original raises on unknown species; under jit we just compute the converted indices
    return (converted_species, coordinates)

if __name__ == "__main__":
    import jax
    _d = setup_inputs()
    print(jax.jit(kernel)(*tuple(_d.values())))

</pallas_src>

<mosaic_0001>
#map = affine_map<(d0, d1) -> (0)>
#map1 = affine_map<(d0, d1) -> (0, 0)>
module attributes {stable_mosaic.version = 14 : i64} {
  func.func @_sc_body(%arg0: i32, %arg1: i32, %arg2: memref<128xi32, #tpu.memory_space<hbm>>, %arg3: memref<16384x200xi32, #tpu.memory_space<hbm>>, %arg4: memref<16384x200xi32, #tpu.memory_space<hbm>>, %arg5: memref<128xi32, #tpu.memory_space<vmem>>, %arg6: memref<64x200xi32, #tpu.memory_space<vmem>>, %arg7: memref<64x200xi32, #tpu.memory_space<vmem>>, %arg8: memref<64x200xi32, #tpu.memory_space<vmem>>, %arg9: memref<64x200xi32, #tpu.memory_space<vmem>>, %arg10: memref<!tpu.dma_semaphore, #tpu.memory_space<semaphore_mem>>, %arg11: memref<!tpu.dma_semaphore, #tpu.memory_space<semaphore_mem>>, %arg12: memref<!tpu.dma_semaphore, #tpu.memory_space<semaphore_mem>>, %arg13: memref<!tpu.dma_semaphore, #tpu.memory_space<semaphore_mem>>) attributes {dimension_semantics = [#tpu.dimension_semantics<core_parallel>, #tpu.dimension_semantics<subcore_parallel>], iteration_bounds = array<i64: 2, 16>, scalar_prefetch = 0 : i64, scratch_operands = 9 : i64, tpu.core_type = #tpu.core_type<sc_vector_subcore>, window_params = [{transform_indices = #map}, {transform_indices = #map1}, {transform_indices = #map1}]} {
    %mul3A = arith.constant 2 : i32
    %mul3A_0 = arith.muli %arg1, %mul3A : i32
    %add3A = arith.addi %mul3A_0, %arg0 : i32
    %mul3A_1 = arith.constant 512 : i32
    %mul3A_2 = arith.muli %add3A, %mul3A_1 : i32
    "tpu.region"() ({
      %run_scoped3A = tpu.sem_alloc : memref<!tpu.dma_semaphore, #tpu.memory_space<semaphore_mem>>
      tpu.enqueue_dma source(%arg2 : memref<128xi32, #tpu.memory_space<hbm>>) target(%arg5 : memref<128xi32, #tpu.memory_space<vmem>>) target_semaphore(%run_scoped3A : memref<!tpu.dma_semaphore, #tpu.memory_space<semaphore_mem>>)
      tpu.wait_dma2 semaphore(%run_scoped3A : memref<!tpu.dma_semaphore, #tpu.memory_space<semaphore_mem>>) src(%arg2 : memref<128xi32, #tpu.memory_space<hbm>>) dst(%arg5 : memref<128xi32, #tpu.memory_space<vmem>>)
      tpu.yield
    }) : () -> ()
    %iota3A = tpu.iota {dimensions = array<i32: 0>} : vector<16xi32>
    %broadcast_in_dim3A = arith.constant 0 : i32
    %broadcast_in_dim3A_3 = vector.broadcast %broadcast_in_dim3A : i32 to vector<16xi32>
    %dma_start3A = arith.constant 0 : i32
    %dma_start3A_4 = tpu.memref_slice %arg3[%mul3A_2, %dma_start3A] : memref<16384x200xi32, #tpu.memory_space<hbm>> -> memref<64x200xi32, #tpu.memory_space<hbm>>
    %dma_start3A_5 = arith.constant 0 : i32
    %dma_start3A_6 = tpu.memref_slice %arg3[%mul3A_2, %dma_start3A_5] : memref<16384x200xi32, #tpu.memory_space<hbm>> -> memref<64x200xi32, #tpu.memory_space<hbm>>
    tpu.enqueue_dma source(%dma_start3A_6 : memref<64x200xi32, #tpu.memory_space<hbm>>) target(%arg6 : memref<64x200xi32, #tpu.memory_space<vmem>>) target_semaphore(%arg10 : memref<!tpu.dma_semaphore, #tpu.memory_space<semaphore_mem>>)
    %add3A_7 = arith.constant 64 : i32
    %add3A_8 = arith.addi %mul3A_2, %add3A_7 : i32
    %dma_start3A_9 = arith.constant 0 : i32
    %dma_start3A_10 = tpu.memref_slice %arg3[%add3A_8, %dma_start3A_9] : memref<16384x200xi32, #tpu.memory_space<hbm>> -> memref<64x200xi32, #tpu.memory_space<hbm>>
    %dma_start3A_11 = arith.constant 0 : i32
    %dma_start3A_12 = tpu.memref_slice %arg3[%add3A_8, %dma_start3A_11] : memref<16384x200xi32, #tpu.memory_space<hbm>> -> memref<64x200xi32, #tpu.memory_space<hbm>>
    tpu.enqueue_dma source(%dma_start3A_12 : memref<64x200xi32, #tpu.memory_space<hbm>>) target(%arg7 : memref<64x200xi32, #tpu.memory_space<vmem>>) target_semaphore(%arg11 : memref<!tpu.dma_semaphore, #tpu.memory_space<semaphore_mem>>)
    %dma_wait3A = arith.constant 0 : i32
    %dma_wait3A_13 = tpu.memref_slice %arg3[%mul3A_2, %dma_wait3A] : memref<16384x200xi32, #tpu.memory_space<hbm>> -> memref<64x200xi32, #tpu.memory_space<hbm>>
    %dma_wait3A_14 = arith.constant 0 : i32
    %dma_wait3A_15 = tpu.memref_slice %arg3[%mul3A_2, %dma_wait3A_14] : memref<16384x200xi32, #tpu.memory_space<hbm>> -> memref<64x200xi32, #tpu.memory_space<hbm>>
    tpu.wait_dma2 semaphore(%arg10 : memref<!tpu.dma_semaphore, #tpu.memory_space<semaphore_mem>>) src(%dma_wait3A_15 : memref<64x200xi32, #tpu.memory_space<hbm>>) dst(%arg6 : memref<64x200xi32, #tpu.memory_space<vmem>>)
    %parallel_loop3A = arith.constant 0 : i32
    %parallel_loop3A_16 = arith.constant 800 : i32
    %parallel_loop3A_17 = arith.constant 1 : i32
    %parallel_loop3A_18:2 = scf.for %parallel_loop3A_191 = %parallel_loop3A to %parallel_loop3A_16 step %parallel_loop3A_17 iter_args(%parallel_loop3A_192 = %broadcast_in_dim3A_3, %parallel_loop3A_193 = %iota3A) -> (vector<16xi32>, vector<16xi32>)  : i32 {
      %parallel_loop3A_194 = tpu.vector_load_idx %arg6[%parallel_loop3A_192, %parallel_loop3A_193] : memref<64x200xi32, #tpu.memory_space<vmem>>[vector<16xi32>, vector<16xi32>], vector<16xi32>,
      %parallel_loop3A_195 = tpu.vector_load_idx %arg5[%parallel_loop3A_194] : memref<128xi32, #tpu.memory_space<vmem>>[vector<16xi32>], vector<16xi32>,
      tpu.vector_store_idx %arg8[%parallel_loop3A_192, %parallel_loop3A_193], %parallel_loop3A_195 : memref<64x200xi32, #tpu.memory_space<vmem>>[vector<16xi32>, vector<16xi32>], vector<16xi32>,
      %parallel_loop3A_196 = arith.constant 16 : i32
      %parallel_loop3A_197 = vector.broadcast %parallel_loop3A_196 : i32 to vector<16xi32>
      %parallel_loop3A_198 = arith.addi %parallel_loop3A_193, %parallel_loop3A_197 : vector<16xi32>
      %parallel_loop3A_199 = arith.constant 200 : i32
      %parallel_loop3A_200 = vector.broadcast %parallel_loop3A_199 : i32 to vector<16xi32>
      %parallel_loop3A_201 = arith.cmpi sge, %parallel_loop3A_198, %parallel_loop3A_200 : vector<16xi32>
      %parallel_loop3A_202 = arith.constant 1 : i32
      %parallel_loop3A_203 = vector.broadcast %parallel_loop3A_202 : i32 to vector<16xi32>
      %parallel_loop3A_204 = arith.addi %parallel_loop3A_192, %parallel_loop3A_203 : vector<16xi32>
      %parallel_loop3A_205 = arith.select %parallel_loop3A_201, %parallel_loop3A_204, %parallel_loop3A_192 : vector<16xi1>, vector<16xi32>
      %parallel_loop3A_206 = arith.constant 200 : i32
      %parallel_loop3A_207 = vector.broadcast %parallel_loop3A_206 : i32 to vector<16xi32>
      %parallel_loop3A_208 = arith.subi %parallel_loop3A_198, %parallel_loop3A_207 : vector<16xi32>
      %parallel_loop3A_209 = arith.select %parallel_loop3A_201, %parallel_loop3A_208, %parallel_loop3A_198 : vector<16xi1>, vector<16xi32>
      scf.yield %parallel_loop3A_205, %parallel_loop3A_209 : vector<16xi32>, vector<16xi32>
    } {sc.loop_unroll_factor = 4 : i64, sc.parallel_access}
    %add3A_19 = arith.constant 0 : i32
    %add3A_20 = arith.addi %mul3A_2, %add3A_19 : i32
    %dma_start3A_21 = arith.constant 0 : i32
    %dma_start3A_22 = tpu.memref_slice %arg4[%add3A_20, %dma_start3A_21] : memref<16384x200xi32, #tpu.memory_space<hbm>> -> memref<64x200xi32, #tpu.memory_space<hbm>>
    %dma_start3A_23 = arith.constant 0 : i32
    %dma_start3A_24 = tpu.memref_slice %arg4[%add3A_20, %dma_start3A_23] : memref<16384x200xi32, #tpu.memory_space<hbm>> -> memref<64x200xi32, #tpu.memory_space<hbm>>
    tpu.enqueue_dma source(%arg8 : memref<64x200xi32, #tpu.memory_space<vmem>>) target(%dma_start3A_24 : memref<64x200xi32, #tpu.memory_space<hbm>>) target_semaphore(%arg12 : memref<!tpu.dma_semaphore, #tpu.memory_space<semaphore_mem>>)
    %add3A_25 = arith.constant 128 : i32
    %add3A_26 = arith.addi %mul3A_2, %add3A_25 : i32
    %dma_start3A_27 = arith.constant 0 : i32
    %dma_start3A_28 = tpu.memref_slice %arg3[%add3A_26, %dma_start3A_27] : memref<16384x200xi32, #tpu.memory_space<hbm>> -> memref<64x200xi32, #tpu.memory_space<hbm>>
    %dma_start3A_29 = arith.constant 0 : i32
    %dma_start3A_30 = tpu.memref_slice %arg3[%add3A_26, %dma_start3A_29] : memref<16384x200xi32, #tpu.memory_space<hbm>> -> memref<64x200xi32, #tpu.memory_space<hbm>>
    tpu.enqueue_dma source(%dma_start3A_30 : memref<64x200xi32, #tpu.memory_space<hbm>>) target(%arg6 : memref<64x200xi32, #tpu.memory_space<vmem>>) target_semaphore(%arg10 : memref<!tpu.dma_semaphore, #tpu.memory_space<semaphore_mem>>)
    %dma_wait3A_31 = arith.constant 0 : i32
    %dma_wait3A_32 = tpu.memref_slice %arg3[%add3A_8, %dma_wait3A_31] : memref<16384x200xi32, #tpu.memory_space<hbm>> -> memref<64x200xi32, #tpu.memory_space<hbm>>
    %dma_wait3A_33 = arith.constant 0 : i32
    %dma_wait3A_34 = tpu.memref_slice %arg3[%add3A_8, %dma_wait3A_33] : memref<16384x200xi32, #tpu.memory_space<hbm>> -> memref<64x200xi32, #tpu.memory_space<hbm>>
    tpu.wait_dma2 semaphore(%arg11 : memref<!tpu.dma_semaphore, #tpu.memory_space<semaphore_mem>>) src(%dma_wait3A_34 : memref<64x200xi32, #tpu.memory_space<hbm>>) dst(%arg7 : memref<64x200xi32, #tpu.memory_space<vmem>>)
    %parallel_loop3A_35 = arith.constant 0 : i32
    %parallel_loop3A_36 = arith.constant 800 : i32
    %parallel_loop3A_37 = arith.constant 1 : i32
    %parallel_loop3A_38:2 = scf.for %parallel_loop3A_191 = %parallel_loop3A_35 to %parallel_loop3A_36 step %parallel_loop3A_37 iter_args(%parallel_loop3A_192 = %broadcast_in_dim3A_3, %parallel_loop3A_193 = %iota3A) -> (vector<16xi32>, vector<16xi32>)  : i32 {
      %parallel_loop3A_194 = tpu.vector_load_idx %arg7[%parallel_loop3A_192, %parallel_loop3A_193] : memref<64x200xi32, #tpu.memory_space<vmem>>[vector<16xi32>, vector<16xi32>], vector<16xi32>,
      %parallel_loop3A_195 = tpu.vector_load_idx %arg5[%parallel_loop3A_194] : memref<128xi32, #tpu.memory_space<vmem>>[vector<16xi32>], vector<16xi32>,
      tpu.vector_store_idx %arg9[%parallel_loop3A_192, %parallel_loop3A_193], %parallel_loop3A_195 : memref<64x200xi32, #tpu.memory_space<vmem>>[vector<16xi32>, vector<16xi32>], vector<16xi32>,
      %parallel_loop3A_196 = arith.constant 16 : i32
      %parallel_loop3A_197 = vector.broadcast %parallel_loop3A_196 : i32 to vector<16xi32>
      %parallel_loop3A_198 = arith.addi %parallel_loop3A_193, %parallel_loop3A_197 : vector<16xi32>
      %parallel_loop3A_199 = arith.constant 200 : i32
      %parallel_loop3A_200 = vector.broadcast %parallel_loop3A_199 : i32 to vector<16xi32>
      %parallel_loop3A_201 = arith.cmpi sge, %parallel_loop3A_198, %parallel_loop3A_200 : vector<16xi32>
      %parallel_loop3A_202 = arith.constant 1 : i32
      %parallel_loop3A_203 = vector.broadcast %parallel_loop3A_202 : i32 to vector<16xi32>
      %parallel_loop3A_204 = arith.addi %parallel_loop3A_192, %parallel_loop3A_203 : vector<16xi32>
      %parallel_loop3A_205 = arith.select %parallel_loop3A_201, %parallel_loop3A_204, %parallel_loop3A_192 : vector<16xi1>, vector<16xi32>
      %parallel_loop3A_206 = arith.constant 200 : i32
      %parallel_loop3A_207 = vector.broadcast %parallel_loop3A_206 : i32 to vector<16xi32>
      %parallel_loop3A_208 = arith.subi %parallel_loop3A_198, %parallel_loop3A_207 : vector<16xi32>
      %parallel_loop3A_209 = arith.select %parallel_loop3A_201, %parallel_loop3A_208, %parallel_loop3A_198 : vector<16xi1>, vector<16xi32>
      scf.yield %parallel_loop3A_205, %parallel_loop3A_209 : vector<16xi32>, vector<16xi32>
    } {sc.loop_unroll_factor = 4 : i64, sc.parallel_access}
    %add3A_39 = arith.constant 64 : i32
    %add3A_40 = arith.addi %mul3A_2, %add3A_39 : i32
    %dma_start3A_41 = arith.constant 0 : i32
    %dma_start3A_42 = tpu.memref_slice %arg4[%add3A_40, %dma_start3A_41] : memref<16384x200xi32, #tpu.memory_space<hbm>> -> memref<64x200xi32, #tpu.memory_space<hbm>>
    %dma_start3A_43 = arith.constant 0 : i32
    %dma_start3A_44 = tpu.memref_slice %arg4[%add3A_40, %dma_start3A_43] : memref<16384x200xi32, #tpu.memory_space<hbm>> -> memref<64x200xi32, #tpu.memory_space<hbm>>
    tpu.enqueue_dma source(%arg9 : memref<64x200xi32, #tpu.memory_space<vmem>>) target(%dma_start3A_44 : memref<64x200xi32, #tpu.memory_space<hbm>>) target_semaphore(%arg13 : memref<!tpu.dma_semaphore, #tpu.memory_space<semaphore_mem>>)
    %add3A_45 = arith.constant 192 : i32
    %add3A_46 = arith.addi %mul3A_2, %add3A_45 : i32
    %dma_start3A_47 = arith.constant 0 : i32
    %dma_start3A_48 = tpu.memref_slice %arg3[%add3A_46, %dma_start3A_47] : memref<16384x200xi32, #tpu.memory_space<hbm>> -> memref<64x200xi32, #tpu.memory_space<hbm>>
    %dma_start3A_49 = arith.constant 0 : i32
    %dma_start3A_50 = tpu.memref_slice %arg3[%add3A_46, %dma_start3A_49] : memref<16384x200xi32, #tpu.memory_space<hbm>> -> memref<64x200xi32, #tpu.memory_space<hbm>>
    tpu.enqueue_dma source(%dma_start3A_50 : memref<64x200xi32, #tpu.memory_space<hbm>>) target(%arg7 : memref<64x200xi32, #tpu.memory_space<vmem>>) target_semaphore(%arg11 : memref<!tpu.dma_semaphore, #tpu.memory_space<semaphore_mem>>)
    %dma_wait3A_51 = arith.constant 0 : i32
    %dma_wait3A_52 = tpu.memref_slice %arg3[%add3A_26, %dma_wait3A_51] : memref<16384x200xi32, #tpu.memory_space<hbm>> -> memref<64x200xi32, #tpu.memory_space<hbm>>
    %dma_wait3A_53 = arith.constant 0 : i32
    %dma_wait3A_54 = tpu.memref_slice %arg3[%add3A_26, %dma_wait3A_53] : memref<16384x200xi32, #tpu.memory_space<hbm>> -> memref<64x200xi32, #tpu.memory_space<hbm>>
    tpu.wait_dma2 semaphore(%arg10 : memref<!tpu.dma_semaphore, #tpu.memory_space<semaphore_mem>>) src(%dma_wait3A_54 : memref<64x200xi32, #tpu.memory_space<hbm>>) dst(%arg6 : memref<64x200xi32, #tpu.memory_space<vmem>>)
    %dma_wait3A_55 = arith.constant 0 : i32
    %dma_wait3A_56 = tpu.memref_slice %arg4[%add3A_20, %dma_wait3A_55] : memref<16384x200xi32, #tpu.memory_space<hbm>> -> memref<64x200xi32, #tpu.memory_space<hbm>>
    %dma_wait3A_57 = arith.constant 0 : i32
    %dma_wait3A_58 = tpu.memref_slice %arg4[%add3A_20, %dma_wait3A_57] : memref<16384x200xi32, #tpu.memory_space<hbm>> -> memref<64x200xi32, #tpu.memory_space<hbm>>
    tpu.wait_dma2 semaphore(%arg12 : memref<!tpu.dma_semaphore, #tpu.memory_space<semaphore_mem>>) src(%arg8 : memref<64x200xi32, #tpu.memory_space<vmem>>) dst(%dma_wait3A_58 : memref<64x200xi32, #tpu.memory_space<hbm>>)
    %parallel_loop3A_59 = arith.constant 0 : i32
    %parallel_loop3A_60 = arith.constant 800 : i32
    %parallel_loop3A_61 = arith.constant 1 : i32
    %parallel_loop3A_62:2 = scf.for %parallel_loop3A_191 = %parallel_loop3A_59 to %parallel_loop3A_60 step %parallel_loop3A_61 iter_args(%parallel_loop3A_192 = %broadcast_in_dim3A_3, %parallel_loop3A_193 = %iota3A) -> (vector<16xi32>, vector<16xi32>)  : i32 {
      %parallel_loop3A_194 = tpu.vector_load_idx %arg6[%parallel_loop3A_192, %parallel_loop3A_193] : memref<64x200xi32, #tpu.memory_space<vmem>>[vector<16xi32>, vector<16xi32>], vector<16xi32>,
      %parallel_loop3A_195 = tpu.vector_load_idx %arg5[%parallel_loop3A_194] : memref<128xi32, #tpu.memory_space<vmem>>[vector<16xi32>], vector<16xi32>,
      tpu.vector_store_idx %arg8[%parallel_loop3A_192, %parallel_loop3A_193], %parallel_loop3A_195 : memref<64x200xi32, #tpu.memory_space<vmem>>[vector<16xi32>, vector<16xi32>], vector<16xi32>,
      %parallel_loop3A_196 = arith.constant 16 : i32
      %parallel_loop3A_197 = vector.broadcast %parallel_loop3A_196 : i32 to vector<16xi32>
      %parallel_loop3A_198 = arith.addi %parallel_loop3A_193, %parallel_loop3A_197 : vector<16xi32>
      %parallel_loop3A_199 = arith.constant 200 : i32
      %parallel_loop3A_200 = vector.broadcast %parallel_loop3A_199 : i32 to vector<16xi32>
      %parallel_loop3A_201 = arith.cmpi sge, %parallel_loop3A_198, %parallel_loop3A_200 : vector<16xi32>
      %parallel_loop3A_202 = arith.constant 1 : i32
      %parallel_loop3A_203 = vector.broadcast %parallel_loop3A_202 : i32 to vector<16xi32>
      %parallel_loop3A_204 = arith.addi %parallel_loop3A_192, %parallel_loop3A_203 : vector<16xi32>
      %parallel_loop3A_205 = arith.select %parallel_loop3A_201, %parallel_loop3A_204, %parallel_loop3A_192 : vector<16xi1>, vector<16xi32>
      %parallel_loop3A_206 = arith.constant 200 : i32
      %parallel_loop3A_207 = vector.broadcast %parallel_loop3A_206 : i32 to vector<16xi32>
      %parallel_loop3A_208 = arith.subi %parallel_loop3A_198, %parallel_loop3A_207 : vector<16xi32>
      %parallel_loop3A_209 = arith.select %parallel_loop3A_201, %parallel_loop3A_208, %parallel_loop3A_198 : vector<16xi1>, vector<16xi32>
      scf.yield %parallel_loop3A_205, %parallel_loop3A_209 : vector<16xi32>, vector<16xi32>
    } {sc.loop_unroll_factor = 4 : i64, sc.parallel_access}
    %add3A_63 = arith.constant 128 : i32
    %add3A_64 = arith.addi %mul3A_2, %add3A_63 : i32
    %dma_start3A_65 = arith.constant 0 : i32
    %dma_start3A_66 = tpu.memref_slice %arg4[%add3A_64, %dma_start3A_65] : memref<16384x200xi32, #tpu.memory_space<hbm>> -> memref<64x200xi32, #tpu.memory_space<hbm>>
    %dma_start3A_67 = arith.constant 0 : i32
    %dma_start3A_68 = tpu.memref_slice %arg4[%add3A_64, %dma_start3A_67] : memref<16384x200xi32, #tpu.memory_space<hbm>> -> memref<64x200xi32, #tpu.memory_space<hbm>>
    tpu.enqueue_dma source(%arg8 : memref<64x200xi32, #tpu.memory_space<vmem>>) target(%dma_start3A_68 : memref<64x200xi32, #tpu.memory_space<hbm>>) target_semaphore(%arg12 : memref<!tpu.dma_semaphore, #tpu.memory_space<semaphore_mem>>)
    %add3A_69 = arith.constant 256 : i32
    %add3A_70 = arith.addi %mul3A_2, %add3A_69 : i32
    %dma_start3A_71 = arith.constant 0 : i32
    %dma_start3A_72 = tpu.memref_slice %arg3[%add3A_70, %dma_start3A_71] : memref<16384x200xi32, #tpu.memory_space<hbm>> -> memref<64x200xi32, #tpu.memory_space<hbm>>
    %dma_start3A_73 = arith.constant 0 : i32
    %dma_start3A_74 = tpu.memref_slice %arg3[%add3A_70, %dma_start3A_73] : memref<16384x200xi32, #tpu.memory_space<hbm>> -> memref<64x200xi32, #tpu.memory_space<hbm>>
    tpu.enqueue_dma source(%dma_start3A_74 : memref<64x200xi32, #tpu.memory_space<hbm>>) target(%arg6 : memref<64x200xi32, #tpu.memory_space<vmem>>) target_semaphore(%arg10 : memref<!tpu.dma_semaphore, #tpu.memory_space<semaphore_mem>>)
    %dma_wait3A_75 = arith.constant 0 : i32
    %dma_wait3A_76 = tpu.memref_slice %arg3[%add3A_46, %dma_wait3A_75] : memref<16384x200xi32, #tpu.memory_space<hbm>> -> memref<64x200xi32, #tpu.memory_space<hbm>>
    %dma_wait3A_77 = arith.constant 0 : i32
    %dma_wait3A_78 = tpu.memref_slice %arg3[%add3A_46, %dma_wait3A_77] : memref<16384x200xi32, #tpu.memory_space<hbm>> -> memref<64x200xi32, #tpu.memory_space<hbm>>
    tpu.wait_dma2 semaphore(%arg11 : memref<!tpu.dma_semaphore, #tpu.memory_space<semaphore_mem>>) src(%dma_wait3A_78 : memref<64x200xi32, #tpu.memory_space<hbm>>) dst(%arg7 : memref<64x200xi32, #tpu.memory_space<vmem>>)
    %dma_wait3A_79 = arith.constant 0 : i32
    %dma_wait3A_80 = tpu.memref_slice %arg4[%add3A_40, %dma_wait3A_79] : memref<16384x200xi32, #tpu.memory_space<hbm>> -> memref<64x200xi32, #tpu.memory_space<hbm>>
    %dma_wait3A_81 = arith.constant 0 : i32
    %dma_wait3A_82 = tpu.memref_slice %arg4[%add3A_40, %dma_wait3A_81] : memref<16384x200xi32, #tpu.memory_space<hbm>> -> memref<64x200xi32, #tpu.memory_space<hbm>>
    tpu.wait_dma2 semaphore(%arg13 : memref<!tpu.dma_semaphore, #tpu.memory_space<semaphore_mem>>) src(%arg9 : memref<64x200xi32, #tpu.memory_space<vmem>>) dst(%dma_wait3A_82 : memref<64x200xi32, #tpu.memory_space<hbm>>)
    %parallel_loop3A_83 = arith.constant 0 : i32
    %parallel_loop3A_84 = arith.constant 800 : i32
    %parallel_loop3A_85 = arith.constant 1 : i32
    %parallel_loop3A_86:2 = scf.for %parallel_loop3A_191 = %parallel_loop3A_83 to %parallel_loop3A_84 step %parallel_loop3A_85 iter_args(%parallel_loop3A_192 = %broadcast_in_dim3A_3, %parallel_loop3A_193 = %iota3A) -> (vector<16xi32>, vector<16xi32>)  : i32 {
      %parallel_loop3A_194 = tpu.vector_load_idx %arg7[%parallel_loop3A_192, %parallel_loop3A_193] : memref<64x200xi32, #tpu.memory_space<vmem>>[vector<16xi32>, vector<16xi32>], vector<16xi32>,
      %parallel_loop3A_195 = tpu.vector_load_idx %arg5[%parallel_loop3A_194] : memref<128xi32, #tpu.memory_space<vmem>>[vector<16xi32>], vector<16xi32>,
      tpu.vector_store_idx %arg9[%parallel_loop3A_192, %parallel_loop3A_193], %parallel_loop3A_195 : memref<64x200xi32, #tpu.memory_space<vmem>>[vector<16xi32>, vector<16xi32>], vector<16xi32>,
      %parallel_loop3A_196 = arith.constant 16 : i32
      %parallel_loop3A_197 = vector.broadcast %parallel_loop3A_196 : i32 to vector<16xi32>
      %parallel_loop3A_198 = arith.addi %parallel_loop3A_193, %parallel_loop3A_197 : vector<16xi32>
      %parallel_loop3A_199 = arith.constant 200 : i32
      %parallel_loop3A_200 = vector.broadcast %parallel_loop3A_199 : i32 to vector<16xi32>
      %parallel_loop3A_201 = arith.cmpi sge, %parallel_loop3A_198, %parallel_loop3A_200 : vector<16xi32>
      %parallel_loop3A_202 = arith.constant 1 : i32
      %parallel_loop3A_203 = vector.broadcast %parallel_loop3A_202 : i32 to vector<16xi32>
      %parallel_loop3A_204 = arith.addi %parallel_loop3A_192, %parallel_loop3A_203 : vector<16xi32>
      %parallel_loop3A_205 = arith.select %parallel_loop3A_201, %parallel_loop3A_204, %parallel_loop3A_192 : vector<16xi1>, vector<16xi32>
      %parallel_loop3A_206 = arith.constant 200 : i32
      %parallel_loop3A_207 = vector.broadcast %parallel_loop3A_206 : i32 to vector<16xi32>
      %parallel_loop3A_208 = arith.subi %parallel_loop3A_198, %parallel_loop3A_207 : vector<16xi32>
      %parallel_loop3A_209 = arith.select %parallel_loop3A_201, %parallel_loop3A_208, %parallel_loop3A_198 : vector<16xi1>, vector<16xi32>
      scf.yield %parallel_loop3A_205, %parallel_loop3A_209 : vector<16xi32>, vector<16xi32>
    } {sc.loop_unroll_factor = 4 : i64, sc.parallel_access}
    %add3A_87 = arith.constant 192 : i32
    %add3A_88 = arith.addi %mul3A_2, %add3A_87 : i32
    %dma_start3A_89 = arith.constant 0 : i32
    %dma_start3A_90 = tpu.memref_slice %arg4[%add3A_88, %dma_start3A_89] : memref<16384x200xi32, #tpu.memory_space<hbm>> -> memref<64x200xi32, #tpu.memory_space<hbm>>
    %dma_start3A_91 = arith.constant 0 : i32
    %dma_start3A_92 = tpu.memref_slice %arg4[%add3A_88, %dma_start3A_91] : memref<16384x200xi32, #tpu.memory_space<hbm>> -> memref<64x200xi32, #tpu.memory_space<hbm>>
    tpu.enqueue_dma source(%arg9 : memref<64x200xi32, #tpu.memory_space<vmem>>) target(%dma_start3A_92 : memref<64x200xi32, #tpu.memory_space<hbm>>) target_semaphore(%arg13 : memref<!tpu.dma_semaphore, #tpu.memory_space<semaphore_mem>>)
    %add3A_93 = arith.constant 320 : i32
    %add3A_94 = arith.addi %mul3A_2, %add3A_93 : i32
    %dma_start3A_95 = arith.constant 0 : i32
    %dma_start3A_96 = tpu.memref_slice %arg3[%add3A_94, %dma_start3A_95] : memref<16384x200xi32, #tpu.memory_space<hbm>> -> memref<64x200xi32, #tpu.memory_space<hbm>>
    %dma_start3A_97 = arith.constant 0 : i32
    %dma_start3A_98 = tpu.memref_slice %arg3[%add3A_94, %dma_start3A_97] : memref<16384x200xi32, #tpu.memory_space<hbm>> -> memref<64x200xi32, #tpu.memory_space<hbm>>
    tpu.enqueue_dma source(%dma_start3A_98 : memref<64x200xi32, #tpu.memory_space<hbm>>) target(%arg7 : memref<64x200xi32, #tpu.memory_space<vmem>>) target_semaphore(%arg11 : memref<!tpu.dma_semaphore, #tpu.memory_space<semaphore_mem>>)
    %dma_wait3A_99 = arith.constant 0 : i32
    %dma_wait3A_100 = tpu.memref_slice %arg3[%add3A_70, %dma_wait3A_99] : memref<16384x200xi32, #tpu.memory_space<hbm>> -> memref<64x200xi32, #tpu.memory_space<hbm>>
    %dma_wait3A_101 = arith.constant 0 : i32
    %dma_wait3A_102 = tpu.memref_slice %arg3[%add3A_70, %dma_wait3A_101] : memref<16384x200xi32, #tpu.memory_space<hbm>> -> memref<64x200xi32, #tpu.memory_space<hbm>>
    tpu.wait_dma2 semaphore(%arg10 : memref<!tpu.dma_semaphore, #tpu.memory_space<semaphore_mem>>) src(%dma_wait3A_102 : memref<64x200xi32, #tpu.memory_space<hbm>>) dst(%arg6 : memref<64x200xi32, #tpu.memory_space<vmem>>)
    %dma_wait3A_103 = arith.constant 0 : i32
    %dma_wait3A_104 = tpu.memref_slice %arg4[%add3A_64, %dma_wait3A_103] : memref<16384x200xi32, #tpu.memory_space<hbm>> -> memref<64x200xi32, #tpu.memory_space<hbm>>
    %dma_wait3A_105 = arith.constant 0 : i32
    %dma_wait3A_106 = tpu.memref_slice %arg4[%add3A_64, %dma_wait3A_105] : memref<16384x200xi32, #tpu.memory_space<hbm>> -> memref<64x200xi32, #tpu.memory_space<hbm>>
    tpu.wait_dma2 semaphore(%arg12 : memref<!tpu.dma_semaphore, #tpu.memory_space<semaphore_mem>>) src(%arg8 : memref<64x200xi32, #tpu.memory_space<vmem>>) dst(%dma_wait3A_106 : memref<64x200xi32, #tpu.memory_space<hbm>>)
    %parallel_loop3A_107 = arith.constant 0 : i32
    %parallel_loop3A_108 = arith.constant 800 : i32
    %parallel_loop3A_109 = arith.constant 1 : i32
    %parallel_loop3A_110:2 = scf.for %parallel_loop3A_191 = %parallel_loop3A_107 to %parallel_loop3A_108 step %parallel_loop3A_109 iter_args(%parallel_loop3A_192 = %broadcast_in_dim3A_3, %parallel_loop3A_193 = %iota3A) -> (vector<16xi32>, vector<16xi32>)  : i32 {
      %parallel_loop3A_194 = tpu.vector_load_idx %arg6[%parallel_loop3A_192, %parallel_loop3A_193] : memref<64x200xi32, #tpu.memory_space<vmem>>[vector<16xi32>, vector<16xi32>], vector<16xi32>,
      %parallel_loop3A_195 = tpu.vector_load_idx %arg5[%parallel_loop3A_194] : memref<128xi32, #tpu.memory_space<vmem>>[vector<16xi32>], vector<16xi32>,
      tpu.vector_store_idx %arg8[%parallel_loop3A_192, %parallel_loop3A_193], %parallel_loop3A_195 : memref<64x200xi32, #tpu.memory_space<vmem>>[vector<16xi32>, vector<16xi32>], vector<16xi32>,
      %parallel_loop3A_196 = arith.constant 16 : i32
      %parallel_loop3A_197 = vector.broadcast %parallel_loop3A_196 : i32 to vector<16xi32>
      %parallel_loop3A_198 = arith.addi %parallel_loop3A_193, %parallel_loop3A_197 : vector<16xi32>
      %parallel_loop3A_199 = arith.constant 200 : i32
      %parallel_loop3A_200 = vector.broadcast %parallel_loop3A_199 : i32 to vector<16xi32>
      %parallel_loop3A_201 = arith.cmpi sge, %parallel_loop3A_198, %parallel_loop3A_200 : vector<16xi32>
      %parallel_loop3A_202 = arith.constant 1 : i32
      %parallel_loop3A_203 = vector.broadcast %parallel_loop3A_202 : i32 to vector<16xi32>
      %parallel_loop3A_204 = arith.addi %parallel_loop3A_192, %parallel_loop3A_203 : vector<16xi32>
      %parallel_loop3A_205 = arith.select %parallel_loop3A_201, %parallel_loop3A_204, %parallel_loop3A_192 : vector<16xi1>, vector<16xi32>
      %parallel_loop3A_206 = arith.constant 200 : i32
      %parallel_loop3A_207 = vector.broadcast %parallel_loop3A_206 : i32 to vector<16xi32>
      %parallel_loop3A_208 = arith.subi %parallel_loop3A_198, %parallel_loop3A_207 : vector<16xi32>
      %parallel_loop3A_209 = arith.select %parallel_loop3A_201, %parallel_loop3A_208, %parallel_loop3A_198 : vector<16xi1>, vector<16xi32>
      scf.yield %parallel_loop3A_205, %parallel_loop3A_209 : vector<16xi32>, vector<16xi32>
    } {sc.loop_unroll_factor = 4 : i64, sc.parallel_access}
    %add3A_111 = arith.constant 256 : i32
    %add3A_112 = arith.addi %mul3A_2, %add3A_111 : i32
    %dma_start3A_113 = arith.constant 0 : i32
    %dma_start3A_114 = tpu.memref_slice %arg4[%add3A_112, %dma_start3A_113] : memref<16384x200xi32, #tpu.memory_space<hbm>> -> memref<64x200xi32, #tpu.memory_space<hbm>>
    %dma_start3A_115 = arith.constant 0 : i32
    %dma_start3A_116 = tpu.memref_slice %arg4[%add3A_112, %dma_start3A_115] : memref<16384x200xi32, #tpu.memory_space<hbm>> -> memref<64x200xi32, #tpu.memory_space<hbm>>
    tpu.enqueue_dma source(%arg8 : memref<64x200xi32, #tpu.memory_space<vmem>>) target(%dma_start3A_116 : memref<64x200xi32, #tpu.memory_space<hbm>>) target_semaphore(%arg12 : memref<!tpu.dma_semaphore, #tpu.memory_space<semaphore_mem>>)
    %add3A_117 = arith.constant 384 : i32
    %add3A_118 = arith.addi %mul3A_2, %add3A_117 : i32
    %dma_start3A_119 = arith.constant 0 : i32
    %dma_start3A_120 = tpu.memref_slice %arg3[%add3A_118, %dma_start3A_119] : memref<16384x200xi32, #tpu.memory_space<hbm>> -> memref<64x200xi32, #tpu.memory_space<hbm>>
    %dma_start3A_121 = arith.constant 0 : i32
    %dma_start3A_122 = tpu.memref_slice %arg3[%add3A_118, %dma_start3A_121] : memref<16384x200xi32, #tpu.memory_space<hbm>> -> memref<64x200xi32, #tpu.memory_space<hbm>>
    tpu.enqueue_dma source(%dma_start3A_122 : memref<64x200xi32, #tpu.memory_space<hbm>>) target(%arg6 : memref<64x200xi32, #tpu.memory_space<vmem>>) target_semaphore(%arg10 : memref<!tpu.dma_semaphore, #tpu.memory_space<semaphore_mem>>)
    %dma_wait3A_123 = arith.constant 0 : i32
    %dma_wait3A_124 = tpu.memref_slice %arg3[%add3A_94, %dma_wait3A_123] : memref<16384x200xi32, #tpu.memory_space<hbm>> -> memref<64x200xi32, #tpu.memory_space<hbm>>
    %dma_wait3A_125 = arith.constant 0 : i32
    %dma_wait3A_126 = tpu.memref_slice %arg3[%add3A_94, %dma_wait3A_125] : memref<16384x200xi32, #tpu.memory_space<hbm>> -> memref<64x200xi32, #tpu.memory_space<hbm>>
    tpu.wait_dma2 semaphore(%arg11 : memref<!tpu.dma_semaphore, #tpu.memory_space<semaphore_mem>>) src(%dma_wait3A_126 : memref<64x200xi32, #tpu.memory_space<hbm>>) dst(%arg7 : memref<64x200xi32, #tpu.memory_space<vmem>>)
    %dma_wait3A_127 = arith.constant 0 : i32
    %dma_wait3A_128 = tpu.memref_slice %arg4[%add3A_88, %dma_wait3A_127] : memref<16384x200xi32, #tpu.memory_space<hbm>> -> memref<64x200xi32, #tpu.memory_space<hbm>>
    %dma_wait3A_129 = arith.constant 0 : i32
    %dma_wait3A_130 = tpu.memref_slice %arg4[%add3A_88, %dma_wait3A_129] : memref<16384x200xi32, #tpu.memory_space<hbm>> -> memref<64x200xi32, #tpu.memory_space<hbm>>
    tpu.wait_dma2 semaphore(%arg13 : memref<!tpu.dma_semaphore, #tpu.memory_space<semaphore_mem>>) src(%arg9 : memref<64x200xi32, #tpu.memory_space<vmem>>) dst(%dma_wait3A_130 : memref<64x200xi32, #tpu.memory_space<hbm>>)
    %parallel_loop3A_131 = arith.constant 0 : i32
    %parallel_loop3A_132 = arith.constant 800 : i32
    %parallel_loop3A_133 = arith.constant 1 : i32
    %parallel_loop3A_134:2 = scf.for %parallel_loop3A_191 = %parallel_loop3A_131 to %parallel_loop3A_132 step %parallel_loop3A_133 iter_args(%parallel_loop3A_192 = %broadcast_in_dim3A_3, %parallel_loop3A_193 = %iota3A) -> (vector<16xi32>, vector<16xi32>)  : i32 {
      %parallel_loop3A_194 = tpu.vector_load_idx %arg7[%parallel_loop3A_192, %parallel_loop3A_193] : memref<64x200xi32, #tpu.memory_space<vmem>>[vector<16xi32>, vector<16xi32>], vector<16xi32>,
      %parallel_loop3A_195 = tpu.vector_load_idx %arg5[%parallel_loop3A_194] : memref<128xi32, #tpu.memory_space<vmem>>[vector<16xi32>], vector<16xi32>,
      tpu.vector_store_idx %arg9[%parallel_loop3A_192, %parallel_loop3A_193], %parallel_loop3A_195 : memref<64x200xi32, #tpu.memory_space<vmem>>[vector<16xi32>, vector<16xi32>], vector<16xi32>,
      %parallel_loop3A_196 = arith.constant 16 : i32
      %parallel_loop3A_197 = vector.broadcast %parallel_loop3A_196 : i32 to vector<16xi32>
      %parallel_loop3A_198 = arith.addi %parallel_loop3A_193, %parallel_loop3A_197 : vector<16xi32>
      %parallel_loop3A_199 = arith.constant 200 : i32
      %parallel_loop3A_200 = vector.broadcast %parallel_loop3A_199 : i32 to vector<16xi32>
      %parallel_loop3A_201 = arith.cmpi sge, %parallel_loop3A_198, %parallel_loop3A_200 : vector<16xi32>
      %parallel_loop3A_202 = arith.constant 1 : i32
      %parallel_loop3A_203 = vector.broadcast %parallel_loop3A_202 : i32 to vector<16xi32>
      %parallel_loop3A_204 = arith.addi %parallel_loop3A_192, %parallel_loop3A_203 : vector<16xi32>
      %parallel_loop3A_205 = arith.select %parallel_loop3A_201, %parallel_loop3A_204, %parallel_loop3A_192 : vector<16xi1>, vector<16xi32>
      %parallel_loop3A_206 = arith.constant 200 : i32
      %parallel_loop3A_207 = vector.broadcast %parallel_loop3A_206 : i32 to vector<16xi32>
      %parallel_loop3A_208 = arith.subi %parallel_loop3A_198, %parallel_loop3A_207 : vector<16xi32>
      %parallel_loop3A_209 = arith.select %parallel_loop3A_201, %parallel_loop3A_208, %parallel_loop3A_198 : vector<16xi1>, vector<16xi32>
      scf.yield %parallel_loop3A_205, %parallel_loop3A_209 : vector<16xi32>, vector<16xi32>
    } {sc.loop_unroll_factor = 4 : i64, sc.parallel_access}
    %add3A_135 = arith.constant 320 : i32
    %add3A_136 = arith.addi %mul3A_2, %add3A_135 : i32
    %dma_start3A_137 = arith.constant 0 : i32
    %dma_start3A_138 = tpu.memref_slice %arg4[%add3A_136, %dma_start3A_137] : memref<16384x200xi32, #tpu.memory_space<hbm>> -> memref<64x200xi32, #tpu.memory_space<hbm>>
    %dma_start3A_139 = arith.constant 0 : i32
    %dma_start3A_140 = tpu.memref_slice %arg4[%add3A_136, %dma_start3A_139] : memref<16384x200xi32, #tpu.memory_space<hbm>> -> memref<64x200xi32, #tpu.memory_space<hbm>>
    tpu.enqueue_dma source(%arg9 : memref<64x200xi32, #tpu.memory_space<vmem>>) target(%dma_start3A_140 : memref<64x200xi32, #tpu.memory_space<hbm>>) target_semaphore(%arg13 : memref<!tpu.dma_semaphore, #tpu.memory_space<semaphore_mem>>)
    %add3A_141 = arith.constant 448 : i32
    %add3A_142 = arith.addi %mul3A_2, %add3A_141 : i32
    %dma_start3A_143 = arith.constant 0 : i32
    %dma_start3A_144 = tpu.memref_slice %arg3[%add3A_142, %dma_start3A_143] : memref<16384x200xi32, #tpu.memory_space<hbm>> -> memref<64x200xi32, #tpu.memory_space<hbm>>
    %dma_start3A_145 = arith.constant 0 : i32
    %dma_start3A_146 = tpu.memref_slice %arg3[%add3A_142, %dma_start3A_145] : memref<16384x200xi32, #tpu.memory_space<hbm>> -> memref<64x200xi32, #tpu.memory_space<hbm>>
    tpu.enqueue_dma source(%dma_start3A_146 : memref<64x200xi32, #tpu.memory_space<hbm>>) target(%arg7 : memref<64x200xi32, #tpu.memory_space<vmem>>) target_semaphore(%arg11 : memref<!tpu.dma_semaphore, #tpu.memory_space<semaphore_mem>>)
    %dma_wait3A_147 = arith.constant 0 : i32
    %dma_wait3A_148 = tpu.memref_slice %arg3[%add3A_118, %dma_wait3A_147] : memref<16384x200xi32, #tpu.memory_space<hbm>> -> memref<64x200xi32, #tpu.memory_space<hbm>>
    %dma_wait3A_149 = arith.constant 0 : i32
    %dma_wait3A_150 = tpu.memref_slice %arg3[%add3A_118, %dma_wait3A_149] : memref<16384x200xi32, #tpu.memory_space<hbm>> -> memref<64x200xi32, #tpu.memory_space<hbm>>
    tpu.wait_dma2 semaphore(%arg10 : memref<!tpu.dma_semaphore, #tpu.memory_space<semaphore_mem>>) src(%dma_wait3A_150 : memref<64x200xi32, #tpu.memory_space<hbm>>) dst(%arg6 : memref<64x200xi32, #tpu.memory_space<vmem>>)
    %dma_wait3A_151 = arith.constant 0 : i32
    %dma_wait3A_152 = tpu.memref_slice %arg4[%add3A_112, %dma_wait3A_151] : memref<16384x200xi32, #tpu.memory_space<hbm>> -> memref<64x200xi32, #tpu.memory_space<hbm>>
    %dma_wait3A_153 = arith.constant 0 : i32
    %dma_wait3A_154 = tpu.memref_slice %arg4[%add3A_112, %dma_wait3A_153] : memref<16384x200xi32, #tpu.memory_space<hbm>> -> memref<64x200xi32, #tpu.memory_space<hbm>>
    tpu.wait_dma2 semaphore(%arg12 : memref<!tpu.dma_semaphore, #tpu.memory_space<semaphore_mem>>) src(%arg8 : memref<64x200xi32, #tpu.memory_space<vmem>>) dst(%dma_wait3A_154 : memref<64x200xi32, #tpu.memory_space<hbm>>)
    %parallel_loop3A_155 = arith.constant 0 : i32
    %parallel_loop3A_156 = arith.constant 800 : i32
    %parallel_loop3A_157 = arith.constant 1 : i32
    %parallel_loop3A_158:2 = scf.for %parallel_loop3A_191 = %parallel_loop3A_155 to %parallel_loop3A_156 step %parallel_loop3A_157 iter_args(%parallel_loop3A_192 = %broadcast_in_dim3A_3, %parallel_loop3A_193 = %iota3A) -> (vector<16xi32>, vector<16xi32>)  : i32 {
      %parallel_loop3A_194 = tpu.vector_load_idx %arg6[%parallel_loop3A_192, %parallel_loop3A_193] : memref<64x200xi32, #tpu.memory_space<vmem>>[vector<16xi32>, vector<16xi32>], vector<16xi32>,
      %parallel_loop3A_195 = tpu.vector_load_idx %arg5[%parallel_loop3A_194] : memref<128xi32, #tpu.memory_space<vmem>>[vector<16xi32>], vector<16xi32>,
      tpu.vector_store_idx %arg8[%parallel_loop3A_192, %parallel_loop3A_193], %parallel_loop3A_195 : memref<64x200xi32, #tpu.memory_space<vmem>>[vector<16xi32>, vector<16xi32>], vector<16xi32>,
      %parallel_loop3A_196 = arith.constant 16 : i32
      %parallel_loop3A_197 = vector.broadcast %parallel_loop3A_196 : i32 to vector<16xi32>
      %parallel_loop3A_198 = arith.addi %parallel_loop3A_193, %parallel_loop3A_197 : vector<16xi32>
      %parallel_loop3A_199 = arith.constant 200 : i32
      %parallel_loop3A_200 = vector.broadcast %parallel_loop3A_199 : i32 to vector<16xi32>
      %parallel_loop3A_201 = arith.cmpi sge, %parallel_loop3A_198, %parallel_loop3A_200 : vector<16xi32>
      %parallel_loop3A_202 = arith.constant 1 : i32
      %parallel_loop3A_203 = vector.broadcast %parallel_loop3A_202 : i32 to vector<16xi32>
      %parallel_loop3A_204 = arith.addi %parallel_loop3A_192, %parallel_loop3A_203 : vector<16xi32>
      %parallel_loop3A_205 = arith.select %parallel_loop3A_201, %parallel_loop3A_204, %parallel_loop3A_192 : vector<16xi1>, vector<16xi32>
      %parallel_loop3A_206 = arith.constant 200 : i32
      %parallel_loop3A_207 = vector.broadcast %parallel_loop3A_206 : i32 to vector<16xi32>
      %parallel_loop3A_208 = arith.subi %parallel_loop3A_198, %parallel_loop3A_207 : vector<16xi32>
      %parallel_loop3A_209 = arith.select %parallel_loop3A_201, %parallel_loop3A_208, %parallel_loop3A_198 : vector<16xi1>, vector<16xi32>
      scf.yield %parallel_loop3A_205, %parallel_loop3A_209 : vector<16xi32>, vector<16xi32>
    } {sc.loop_unroll_factor = 4 : i64, sc.parallel_access}
    %add3A_159 = arith.constant 384 : i32
    %add3A_160 = arith.addi %mul3A_2, %add3A_159 : i32
    %dma_start3A_161 = arith.constant 0 : i32
    %dma_start3A_162 = tpu.memref_slice %arg4[%add3A_160, %dma_start3A_161] : memref<16384x200xi32, #tpu.memory_space<hbm>> -> memref<64x200xi32, #tpu.memory_space<hbm>>
    %dma_start3A_163 = arith.constant 0 : i32
    %dma_start3A_164 = tpu.memref_slice %arg4[%add3A_160, %dma_start3A_163] : memref<16384x200xi32, #tpu.memory_space<hbm>> -> memref<64x200xi32, #tpu.memory_space<hbm>>
    tpu.enqueue_dma source(%arg8 : memref<64x200xi32, #tpu.memory_space<vmem>>) target(%dma_start3A_164 : memref<64x200xi32, #tpu.memory_space<hbm>>) target_semaphore(%arg12 : memref<!tpu.dma_semaphore, #tpu.memory_space<semaphore_mem>>)
    %dma_wait3A_165 = arith.constant 0 : i32
    %dma_wait3A_166 = tpu.memref_slice %arg3[%add3A_142, %dma_wait3A_165] : memref<16384x200xi32, #tpu.memory_space<hbm>> -> memref<64x200xi32, #tpu.memory_space<hbm>>
    %dma_wait3A_167 = arith.constant 0 : i32
    %dma_wait3A_168 = tpu.memref_slice %arg3[%add3A_142, %dma_wait3A_167] : memref<16384x200xi32, #tpu.memory_space<hbm>> -> memref<64x200xi32, #tpu.memory_space<hbm>>
    tpu.wait_dma2 semaphore(%arg11 : memref<!tpu.dma_semaphore, #tpu.memory_space<semaphore_mem>>) src(%dma_wait3A_168 : memref<64x200xi32, #tpu.memory_space<hbm>>) dst(%arg7 : memref<64x200xi32, #tpu.memory_space<vmem>>)
    %dma_wait3A_169 = arith.constant 0 : i32
    %dma_wait3A_170 = tpu.memref_slice %arg4[%add3A_136, %dma_wait3A_169] : memref<16384x200xi32, #tpu.memory_space<hbm>> -> memref<64x200xi32, #tpu.memory_space<hbm>>
    %dma_wait3A_171 = arith.constant 0 : i32
    %dma_wait3A_172 = tpu.memref_slice %arg4[%add3A_136, %dma_wait3A_171] : memref<16384x200xi32, #tpu.memory_space<hbm>> -> memref<64x200xi32, #tpu.memory_space<hbm>>
    tpu.wait_dma2 semaphore(%arg13 : memref<!tpu.dma_semaphore, #tpu.memory_space<semaphore_mem>>) src(%arg9 : memref<64x200xi32, #tpu.memory_space<vmem>>) dst(%dma_wait3A_172 : memref<64x200xi32, #tpu.memory_space<hbm>>)
    %parallel_loop3A_173 = arith.constant 0 : i32
    %parallel_loop3A_174 = arith.constant 800 : i32
    %parallel_loop3A_175 = arith.constant 1 : i32
    %parallel_loop3A_176:2 = scf.for %parallel_loop3A_191 = %parallel_loop3A_173 to %parallel_loop3A_174 step %parallel_loop3A_175 iter_args(%parallel_loop3A_192 = %broadcast_in_dim3A_3, %parallel_loop3A_193 = %iota3A) -> (vector<16xi32>, vector<16xi32>)  : i32 {
      %parallel_loop3A_194 = tpu.vector_load_idx %arg7[%parallel_loop3A_192, %parallel_loop3A_193] : memref<64x200xi32, #tpu.memory_space<vmem>>[vector<16xi32>, vector<16xi32>], vector<16xi32>,
      %parallel_loop3A_195 = tpu.vector_load_idx %arg5[%parallel_loop3A_194] : memref<128xi32, #tpu.memory_space<vmem>>[vector<16xi32>], vector<16xi32>,
      tpu.vector_store_idx %arg9[%parallel_loop3A_192, %parallel_loop3A_193], %parallel_loop3A_195 : memref<64x200xi32, #tpu.memory_space<vmem>>[vector<16xi32>, vector<16xi32>], vector<16xi32>,
      %parallel_loop3A_196 = arith.constant 16 : i32
      %parallel_loop3A_197 = vector.broadcast %parallel_loop3A_196 : i32 to vector<16xi32>
      %parallel_loop3A_198 = arith.addi %parallel_loop3A_193, %parallel_loop3A_197 : vector<16xi32>
      %parallel_loop3A_199 = arith.constant 200 : i32
      %parallel_loop3A_200 = vector.broadcast %parallel_loop3A_199 : i32 to vector<16xi32>
      %parallel_loop3A_201 = arith.cmpi sge, %parallel_loop3A_198, %parallel_loop3A_200 : vector<16xi32>
      %parallel_loop3A_202 = arith.constant 1 : i32
      %parallel_loop3A_203 = vector.broadcast %parallel_loop3A_202 : i32 to vector<16xi32>
      %parallel_loop3A_204 = arith.addi %parallel_loop3A_192, %parallel_loop3A_203 : vector<16xi32>
      %parallel_loop3A_205 = arith.select %parallel_loop3A_201, %parallel_loop3A_204, %parallel_loop3A_192 : vector<16xi1>, vector<16xi32>
      %parallel_loop3A_206 = arith.constant 200 : i32
      %parallel_loop3A_207 = vector.broadcast %parallel_loop3A_206 : i32 to vector<16xi32>
      %parallel_loop3A_208 = arith.subi %parallel_loop3A_198, %parallel_loop3A_207 : vector<16xi32>
      %parallel_loop3A_209 = arith.select %parallel_loop3A_201, %parallel_loop3A_208, %parallel_loop3A_198 : vector<16xi1>, vector<16xi32>
      scf.yield %parallel_loop3A_205, %parallel_loop3A_209 : vector<16xi32>, vector<16xi32>
    } {sc.loop_unroll_factor = 4 : i64, sc.parallel_access}
    %add3A_177 = arith.constant 448 : i32
    %add3A_178 = arith.addi %mul3A_2, %add3A_177 : i32
    %dma_start3A_179 = arith.constant 0 : i32
    %dma_start3A_180 = tpu.memref_slice %arg4[%add3A_178, %dma_start3A_179] : memref<16384x200xi32, #tpu.memory_space<hbm>> -> memref<64x200xi32, #tpu.memory_space<hbm>>
    %dma_start3A_181 = arith.constant 0 : i32
    %dma_start3A_182 = tpu.memref_slice %arg4[%add3A_178, %dma_start3A_181] : memref<16384x200xi32, #tpu.memory_space<hbm>> -> memref<64x200xi32, #tpu.memory_space<hbm>>
    tpu.enqueue_dma source(%arg9 : memref<64x200xi32, #tpu.memory_space<vmem>>) target(%dma_start3A_182 : memref<64x200xi32, #tpu.memory_space<hbm>>) target_semaphore(%arg13 : memref<!tpu.dma_semaphore, #tpu.memory_space<semaphore_mem>>)
    %dma_wait3A_183 = arith.constant 0 : i32
    %dma_wait3A_184 = tpu.memref_slice %arg4[%add3A_160, %dma_wait3A_183] : memref<16384x200xi32, #tpu.memory_space<hbm>> -> memref<64x200xi32, #tpu.memory_space<hbm>>
    %dma_wait3A_185 = arith.constant 0 : i32
    %dma_wait3A_186 = tpu.memref_slice %arg4[%add3A_160, %dma_wait3A_185] : memref<16384x200xi32, #tpu.memory_space<hbm>> -> memref<64x200xi32, #tpu.memory_space<hbm>>
    tpu.wait_dma2 semaphore(%arg12 : memref<!tpu.dma_semaphore, #tpu.memory_space<semaphore_mem>>) src(%arg8 : memref<64x200xi32, #tpu.memory_space<vmem>>) dst(%dma_wait3A_186 : memref<64x200xi32, #tpu.memory_space<hbm>>)
    %dma_wait3A_187 = arith.constant 0 : i32
    %dma_wait3A_188 = tpu.memref_slice %arg4[%add3A_178, %dma_wait3A_187] : memref<16384x200xi32, #tpu.memory_space<hbm>> -> memref<64x200xi32, #tpu.memory_space<hbm>>
    %dma_wait3A_189 = arith.constant 0 : i32
    %dma_wait3A_190 = tpu.memref_slice %arg4[%add3A_178, %dma_wait3A_189] : memref<16384x200xi32, #tpu.memory_space<hbm>> -> memref<64x200xi32, #tpu.memory_space<hbm>>
    tpu.wait_dma2 semaphore(%arg13 : memref<!tpu.dma_semaphore, #tpu.memory_space<semaphore_mem>>) src(%arg9 : memref<64x200xi32, #tpu.memory_space<vmem>>) dst(%dma_wait3A_190 : memref<64x200xi32, #tpu.memory_space<hbm>>)
    return
  }
}

</mosaic_0001>

<sc_bundles>
// kernel: kernel.3.cloned.1.call-start
scs
__scs_entry_jumppad:
0x0: {  	(pc) =	sbr.rel $0x88, $3  }
0x1: {  	(tag) =	ssettag $0x0;
	lr =	simm.s32 $0x1  }
0x2: {  	[smem:$0x3F9E] =	sst lr;
	_ =	strace $0xD0000000  }
0x3: {  	_ = 	snop  }
0x4: {  	_ = 	snop  }
0x5: {  	_ = 	snop  }
0x6: {  	_ = 	snop  }
0x7: {  	_ = 	snop  }
__scs_overlays_trampoline_lowered:
0x8: {  	[smem:$0x3FAD] =	sst s0  }
0x9: {  	[smem:$0x3FAE] =	sst s1  }
0xa: {  	[smem:$0x3FAF] =	sst s2  }
0xb: {  	[smem:$0x3FB0] =	sst s3  }
0xc: {  	[smem:$0x3FB1] =	sst s4  }
0xd: {  	[smem:$0x3FB2] =	sst s5  }
0xe: {  	[smem:$0x3FB3] =	sst s6  }
0xf: {  	[smem:$0x3FB4] =	sst s7  }
0x10: {  	[smem:$0x3FB5] =	sst s8  }
0x11: {  	[smem:$0x3FB6] =	sst s9;
	s0 =	simm.s32 @!p0 $0x0  }
0x12: {  	s1 =	sld [smem:$0x3F9C];
	s0 =	simm.s32 @p0 $0x1  }
0x13: {  	[smem:$0x3FB7] =	sst s0;
	s0 =	simm.s32 @!p1 $0x0  }
0x14: {  	s2 =	sld [smem:$0x3F9B];
	s0 =	simm.s32 @p1 $0x1  }
0x15: {  	[smem:$0x3FB8] =	sst s0;
	s0 =	simm.s32 @!p2 $0x0  }
0x16: {  	s3 =	sld [smem:$0x3FDB];
	s0 =	simm.s32 @p2 $0x1  }
0x17: {  	s4 =	simm.s32 $0x1BF5;
	[smem:$0x3FBA] =	sst s0  }
0x18: {  	s0 =	sld [smem:$0x3F9D];
	_ =	swait.ge [sflag:s4], $0x0  }
0x19: {  	s7 =	sld [smem:$0x3F9E]  }
0x1a: {  	s8 =	sadd.s32 $0xFFFFE003, lr  }
0x1b: {  	s9 =	sadd.s32 $0xFFFFFEF7, lr;
	s5 =	simm.s32 $0xFFFFFFFF;
	p2 =	slt.u32 s8, $0xFFFFF086  }
0x1c: {  	p1 =	slt.u32 s9, $0xF7A;
	s5 =	simm.s32 @!p2 $0x0  }
0x1d: {  	s5 =	simm.s32 @p1 $0x1;
	p0 =	seq.s32 s7, s2  }
0x1e: {  	s7 =	smul.u32 @!p0 $0xF7A, s2;
	p2 =	seq.s32 @!p0 s5, $0x0  }
0x1f: {  	s9 =	smul.u32 $0xF7A, s1;
	s8 =	simm.s32 @!p0 $0x1BF5;
	p2 =	por !p2, p0  }
0x20: {  	[sflag:s8] =	ssyncset.s32 @!p0 $0xFFFFF086;
	s6 =	sadd.s32 @!p0 s3, s7;
	s7 =	simm.s32 @!p0 $0x108  }
0x21: {  	s3 =	sadd.s32 s3, s9;
	s6 =	sadd.s32 @!p0 $0x88, s6;
	s7 =	simm.s32 @p2 $0x1082  }
0x22: {  	[simem:s7], [sflag:s8] =	dma.local @!p0 [hbm:s6], $0xF7A  }
0x23: {  	s9 =	sor.u32 $0xD0000000, s2;
	s6 =	simm.s32 $0x108;
	_ =	swait.ge @!p0 [sflag:s8], $0x0  }
0x24: {  	s3 =	sadd.s32 $0x88, s3;
	s6 =	simm.s32 @!p1 $0x1082;
	[sflag:s4] =	ssyncset.s32 $0xFFFFF086  }
0x25: {  	[simem:s6], [sflag:s4] =	dma.local [hbm:s3], $0xF7A  }
0x26: {  	[smem:$0x3F9E] =	sst s1;
	(tag) =	ssettag s2;
	_ =	strace s9  }
0x27: {  	s1 =	sld [smem:$0x3FAE]  }
0x28: {  	s2 =	sld [smem:$0x3FAF]  }
0x29: {  	s4 =	sld [smem:$0x3FB1]  }
0x2a: {  	p0 =	seq.s32 s5, $0x0;
	s5 =	sld [smem:$0x3FB2]  }
0x2b: {  	s6 =	sld [smem:$0x3FB3]  }
0x2c: {  	s7 =	sld [smem:$0x3FB4]  }
0x2d: {  	s3 =	simm.s32 $0x108;
	s8 =	sld [smem:$0x3FB5]  }
0x2e: {  	s3 =	simm.s32 @!p0 $0x1082;
	s9 =	sld [smem:$0x3FB6]  }
0x2f: {  	lr =	sadd.s32 s0, s3;
	s0 =	sld [smem:$0x3FAD]  }
0x30: {  	s3 =	sld [smem:$0x3FB0]  }
0x31: {  	[smem:$0x3FB9] =	sst s10  }
0x32: {  	s10 =	sld [smem:$0x3FB7];
	_ =	sdelay $0x3  }
0x33: {  	p0 =	seq.s32 s10, $0x1;
	s10 =	sld [smem:$0x3FB9];
	_ =	sdelay $0x3  }
0x34: {  	[smem:$0x3FB9] =	sst s10  }
0x35: {  	s10 =	sld [smem:$0x3FB8];
	_ =	sdelay $0x3  }
0x36: {  	p1 =	seq.s32 s10, $0x1;
	s10 =	sld [smem:$0x3FB9];
	_ =	sdelay $0x3  }
0x37: {  	[smem:$0x3FB9] =	sst s10  }
0x38: {  	s10 =	sld [smem:$0x3FBA]  }
0x39: {  	_ = 	snop;
	(pc) =	sbr.ind lr, $3  }
0x3a: {  	_ = 	snop  }
0x3b: {  	_ = 	snop  }
0x3c: {  	p2 =	seq.s32 s10, $0x1;
	s10 =	sld [smem:$0x3FB9]  }
0x3d: {  	_ =	shalt  }
0x3e: {  	_ =	shalt  }
0x3f: {  	_ =	shalt  }
0x40: {  	_ =	shalt  }
0x41: {  	_ =	shalt  }
0x42: {  	_ =	shalt  }
0x43: {  	_ =	shalt  }
0x44: {  	_ =	shalt  }
0x45: {  	_ =	shalt  }
0x46: {  	_ =	shalt  }
0x47: {  	_ =	shalt  }
0x48: {  	_ =	shalt  }
0x49: {  	_ =	shalt  }
0x4a: {  	_ =	shalt  }
0x4b: {  	_ =	shalt  }
0x4c: {  	_ =	shalt  }
0x4d: {  	_ =	shalt  }
0x4e: {  	_ =	shalt  }
0x4f: {  	_ =	shalt  }
0x50: {  	_ =	shalt  }
0x51: {  	_ =	shalt  }
0x52: {  	_ =	shalt  }
0x53: {  	_ =	shalt  }
0x54: {  	_ =	shalt  }
0x55: {  	_ =	shalt  }
0x56: {  	_ =	shalt  }
0x57: {  	_ =	shalt  }
0x58: {  	_ =	shalt  }
0x59: {  	_ =	shalt  }
0x5a: {  	_ =	shalt  }
0x5b: {  	_ =	shalt  }
0x5c: {  	_ =	shalt  }
0x5d: {  	_ =	shalt  }
0x5e: {  	_ =	shalt  }
0x5f: {  	_ =	shalt  }
0x60: {  	_ =	shalt  }
0x61: {  	_ =	shalt  }
0x62: {  	_ =	shalt  }
0x63: {  	_ =	shalt  }
0x64: {  	_ =	shalt  }
0x65: {  	_ =	shalt  }
0x66: {  	_ =	shalt  }
0x67: {  	_ =	shalt  }
0x68: {  	_ =	shalt  }
0x69: {  	_ =	shalt  }
0x6a: {  	_ =	shalt  }
0x6b: {  	_ =	shalt  }
0x6c: {  	_ =	shalt  }
0x6d: {  	_ =	shalt  }
0x6e: {  	_ =	shalt  }
0x6f: {  	_ =	shalt  }
0x70: {  	_ =	shalt  }
0x71: {  	_ =	shalt  }
0x72: {  	_ =	shalt  }
0x73: {  	_ =	shalt  }
0x74: {  	_ =	shalt  }
0x75: {  	_ =	shalt  }
0x76: {  	_ =	shalt  }
0x77: {  	_ =	shalt  }
0x78: {  	_ =	shalt  }
0x79: {  	_ =	shalt  }
0x7a: {  	_ =	shalt  }
0x7b: {  	_ =	shalt  }
0x7c: {  	_ =	shalt  }
0x7d: {  	_ =	shalt  }
0x7e: {  	_ =	shalt  }
0x7f: {  	_ =	shalt  }
0x80: {  	_ =	shalt  }
0x81: {  	_ =	shalt  }
0x82: {  	_ =	shalt  }
0x83: {  	_ =	shalt  }
0x84: {  	_ =	shalt  }
0x85: {  	_ =	shalt  }
0x86: {  	_ =	shalt  }
0x87: {  	_ =	shalt  }
.Lfunc_end0:
.L_simem_size_0:
called_computation_lowered:
.L_overlay_start_0:
0x88: {  	s2 =	sld [smem:$0x3FD9]  }
0x89: {  	s3 =	sld [smem:$0x3FFE];
	_ =	sdelay $0x1  }
0x8a: {  	s1 =	srdreg.scid  }
0x8b: {  	s0 =	sand.u32 $0x1, s1  }
0x8c: {  	s14 =	sshll.u32 s0, $0xA;
	s2 =	sadd.s32 s3, s2  }
0x8d: {  	s2 =	sadd.s32 s2, s14  }
0x8e: {  	[smem:$0x3FC5] =	sst s2  }
0x8f: {  	_ = 	snop  }
0x90: {  	s2 =	sld [smem:$0x3FD0];
	_ =	sdelay $0x2  }
0x91: {  	s15 =	simm.s32 $0xA;
	s4 =	simm.s32 $0x10  }
0x92: {  	[smem:s4], [sflag:s15] =	dma.local [hbm:s2], $0x1  }
0x93: {  	_ =	swait.eq [sflag:s15], $0x1  }
0x94: {  	[sflag:s15] =	ssyncset.done $0x0  }
0x95: {  	[sflag:s15] =	ssyncadd.s32 $0xFFFFFFFF  }
0x96: {  	s16 =	sld [smem:$0x10];
	(tm) =	ssettm $0x1  }
0x97: {  	s17 =	sld [smem:$0x3FFB];
	_ =	sdelay $0x3  }
0x98: {  	_ =	strace s17  }
0x99: {  	s3 =	sld [smem:$0x3FFC];
	_ =	sdelay $0x3  }
0x9a: {  	_ =	strace s3  }
0x9b: {  	s3 =	sld [smem:$0x3FFD];
	_ =	sdelay $0x3  }
0x9c: {  	_ =	strace s3  }
0x9d: {  	_ =	strace $0x8FFFFFFF  }
0x9e: {  	s18 =	sld [smem:$0x3FDB];
	_ =	sdelay $0x1  }
0x9f: {  	s19 =	simm.s32 $_scs_section_size  }
0xa0: {  	s5 =	simm.s32 $_size__tile_overlayer_lowered;
	s6 =	simm.s32 $_tile_overlayer_lowered  }
0xa1: {  	s22 =	simm.s32 $0x1BFF;
	s21 =	sshll.u32 s6, $0x1;
	s3 =	sadd.s32 s19, s18  }
0xa2: {  	s7 =	simm.s32 $0x0;
	s20 =	sshll.u32 s5, $0x1;
	s5 =	sadd.s32 s21, s3  }
0xa3: {  	[timem:s7], [sflag:s22] =	dma.local [hbm:s5], s20  }
0xa4: {  	_ =	swait.ge [sflag:s22], s20  }
0xa5: {  	s4 =	ssub.s32 $0x0, s20;
	[sflag:s22] =	ssyncset.done $0x0  }
0xa6: {  	[sflag:s22] =	ssyncadd.s32 s4;
	_ =	sdelay $0x1  }
0xa7: {  	s23 =	simm.s32 $0x1B8B  }
0xa8: {  	_ =	swait.ge [sflag:s23], $0x1  }
0xa9: {  	[sflag:s23] =	ssyncset.done $0x0  }
0xaa: {  	s25 =	simm.s32 $0x1B8E;
	s24 =	sld [smem:$0x3FFE];
	[sflag:s23] =	ssyncadd.s32 $0xFFFFFFFF  }
0xab: {  	s26 =	simm.s32 $execute0_lowered;
	[smem:$0x3FD2] =	sst s25  }
0xac: {  	s5 =	sshll.u32 s26, $0x1;
	_ =	strace $0x80000046;
	[dreg:$0x1] =	wrdreg $0xFFFFFFFF  }
0xad: {  	s28 =	simm.s32 $_size_execute0_lowered;
	s3 =	sadd.s32 s3, s5;
	[dreg:$0x0] =	wrdreg $0x0  }
0xae: {  	s5 =	sshll.u32 s28, $0x1;
	[dreg:$0x2] =	wrdreg s3  }
0xaf: {  	[dreg:$0x3] =	wrdreg s5  }
0xb0: {  	[dreg:$0x4] =	wrdreg $0xC0  }
0xb1: {  	_ =	task [dreg:s7], $0x5FFFF  }
0xb2: {  	[dreg:$0x1] =	wrdreg $0xFFFFFFFF  }
0xb3: {  	[dreg:$0x0] =	wrdreg $0x60  }
0xb4: {  	[dreg:$0x2] =	wrdreg s16  }
0xb5: {  	[dreg:$0x3] =	wrdreg s24  }
0xb6: {  	[dreg:$0x4] =	wrdreg $0x9  }
0xb7: {  	_ =	task.clear_ibuf [dreg:s7], $0x5FFFF;
	_ =	strace $0x90000046  }
0xb8: {  	s29 =	simm.s32 $0x9;
	_ =	strace $0x80000048  }
0xb9: {  	_ =	swait.ge [sflag:s29], $0x1  }
0xba: {  	[sflag:s29] =	ssyncadd.s32 $0xFFFFFFFF  }
0xbb: {  	_ =	strace $0x90000048  }
0xbc: {  	_ =	sfence  }
0xbd: {  	s30 =	sld [smem:$0x0];
	_ =	sdelay $0x2  }
0xbe: {  	s31 =	sshll.u32 s1, $0xD;
	s1 =	sshrl.u32 s1, $0x2  }
0xbf: {  	s3 =	sand.u32 $0x4000, s31;
	s1 =	sadd.s32 s1, s30  }
0xc0: {  	s0 =	sor.u32 s3, s0;
	s1 =	sshll.u32 s1, $0x11  }
0xc1: {  	s0 =	sor.u32 s1, s0  }
0xc2: {  	s0 =	sadd.s32 $0x8F2B, s0  }
0xc3: {  	[sflag:s0] =	ssyncadd.remote.s32 $0x1  }
0xc4: {  	_ =	sfence.sel $0xFFFF  }
0xc5: {  	[dreg:$0x0] =	wrdreg $0xFFFFFFFF;
	(pc) =	sbr.abs _section_cstart, $3  }
0xc6: {  	[dreg:$0x1] =	wrdreg $0xFFFFFFFF  }
0xc7: {  	_ =	task.clear_ibuf [dreg:s7], $0x2FFFF;
	_ =	strace $0x9FFFFFFF  }
0xc8: {  	(tm) =	ssettm $0x7FFFFFFF  }
0xc9: {  	_ =	shalt  }
tec
execute0_lowered:
.L_overlay_start_1:
0x0: {  	(tag) =	ssettag $0x1  }
0x1: {  	s1 =	rddreg [dreg:$0x0]  }
0x2: {  	s0 =	rddreg [dreg:$0x1]  }
0x3: {  	s3 =	simm.s32 $0x0;
	s4 =	srdreg.scid;
	s2 =	stileid.u32  }
0x4: {  	s22 =	simm.s32 $0x80;
	s23 =	simm.s32 $0x4080;
	s24 =	simm.s32 $0x1  }
0x5: {  	s25 =	simm.s32 $0x8080;
	s26 =	simm.s32 $0x2;
	s28 =	simm.s32 $0xC080  }
0x6: {  	s29 =	simm.s32 $0x3;
	s30 =	simm.s32 $0x4;
	s31 =	simm.s32 $0x0  }
0x7: {  	[smem:$0x7FF] =	sst s3;
	s4 =	sand.u32 $0x1, s4;
	s6 =	sshll.u32 s2, $0xF  }
0x8: {  	s17 =	sadd.s32 $0x600, s0;
	s5 =	ssub.s32 $0x2, s4;
	s4 =	sshll.u32 s4, $0xE  }
0x9: {  	s0 =	sadd.s32 $0x80600, s0;
	s7 =	sshrl.u32 s5, $0x1;
	s16 =	sor.u32 s4, s6  }
0xa: {  	_ =	strace $0x80000047;
	s20 =	ssub.s32 s5, s7;
	s8 =	sor.u32 $0x800, s16  }
0xb: {  	s4 =	sadd.s32 s17, s16;
	s10 =	sor.u32 $0x1000, s16;
	s6 =	sadd.s32 s0, s16  }
0xc: {  	s12 =	sor.u32 $0x1800, s16;
	s14 =	sor.u32 $0x2000, s16;
	s18 =	sor.u32 $0x2800, s16  }
0xd: {  	s19 =	sor.u32 $0x3000, s16;
	s21 =	sor.u32 $0x3800, s16;
	s5 =	sadd.s32 s17, s8  }
0xe: {  	s7 =	sadd.s32 s17, s10;
	s8 =	sadd.s32 s0, s8;
	s9 =	sadd.s32 s17, s12  }
0xf: {  	s10 =	sadd.s32 s0, s10;
	s11 =	sadd.s32 s17, s14;
	s12 =	sadd.s32 s0, s12  }
0x10: {  	s13 =	sadd.s32 s17, s18;
	s14 =	sadd.s32 s0, s14;
	s15 =	sadd.s32 s17, s19  }
0x11: {  	s16 =	sadd.s32 s0, s18;
	s17 =	sadd.s32 s17, s21;
	s18 =	sadd.s32 s0, s19  }
0x12: {  	v0 =	vimm.s32 $0x0;
	s19 =	sadd.s32 s0, s21;
	s20 =	smax.u32 s20, $0x1;
	s21 =	simm.s32 $0x5  }
.LBB2_1:
0x13: {  	v1 =	vlaneseq.u32  }
0x14: {  	v3 =	vshll.u32 v0, $0x8;
	v2 =	vshll.u32 v1, $0x3  }
0x15: {  	[tilespmem:s3], [sflag:$0x5] =	stream.linear.gather [hbm4b:s1+s3], $0x80, $0x38;
	v4 =	vshll.u32 v0, $0x7;
	v3 =	vand.u32 $0xFFFFF800, v3;
	v2 =	vand.u32 $0xFFFFFC00, v2;
	[tilespmem:$0x10080] =	vst v63  }
0x16: {  	_ =	swait.ge [sflag:s21], $0x80;
	v2 =	vadd.s32 v3, v2;
	v3 =	vand.u32 $0x380, v4  }
0x17: {  	[sflag:s21] =	ssyncset.done $0x0;
	v2 =	vor.u32 v3, v2;
	v3 =	vadd.s32 $0x10, v1  }
0x18: {  	[sflag:s21] =	ssyncadd.s32 $0xFFFFFF80;
	v4 =	vand.u32 $0x7F, v1;
	v1 =	vadd.s32 $0xFFFFFF48, v1;
	vm0 =	vgt.s32 v3, $0xC7  }
0x19: {  	[tilespmem:s22], [sflag:$0x1] =	stream.linear.gather [hbm4b:s4+s3], $0x4000, $0x38;
	v2 =	vor.u32 v4, v2;
	v4 =	vsel vm0, $0x1, v0;
	v1 =	vsel vm0, v1, v3;
	[tilespmem:$0x10080] =	vst v63  }
0x1a: {  	v5 =	vadd.s32 v4, v0;
	v6 =	vshll.u32 v1, $0x3;
	v3 =	vadd.s32 $0x10, v1  }
0x1b: {  	[tilespmem:s23], [sflag:$0x2] =	stream.linear.gather [hbm4b:s5+s3], $0x4000, $0x38;
	v7 =	vadd.s32 $0xFFFFFF48, v1;
	v4 =	vshll.u32 v5, $0x8;
	vm13 =	vgt.s32 v3, $0xC7;
	[tilespmem:$0x10080] =	vst v63  }
0x1c: {  	_ =	swait.ge [sflag:s24], $0x4000;
	v8 =	vand.u32 $0xFFFFF800, v4;
	v4 =	vsel vm13, $0x1, v0;
	v9 =	vsel vm13, v7, v3  }
0x1d: {  	[sflag:s24] =	ssyncset.done $0x0;
	v6 =	vand.u32 $0xFFFFFC00, v6;
	v7 =	vadd.s32 v4, v5;
	v10 =	vshll.u32 v9, $0x3  }
0x1e: {  	[sflag:s24] =	ssyncadd.s32 $0xFFFFC000;
	v3 =	vadd.s32 $0x10, v9;
	v11 =	vadd.s32 $0xFFFFFF48, v9;
	v5 =	vshll.u32 v5, $0x7  }
0x1f: {  	v12 =	vld.idx.msk [tilespmem:v2+s22+$0x0], $0xffff;
	v6 =	vadd.s32 v6, v8;
	v4 =	vshll.u32 v7, $0x8;
	vm14 =	vgt.s32 v3, $0xC7  }
0x20: {  	v10 =	vand.u32 $0xFFFFFC00, v10;
	v5 =	vand.u32 $0x380, v5;
	v13 =	vand.u32 $0xFFFFF800, v4  }
0x21: {  	v4 =	vsel vm14, $0x1, v0;
	v11 =	vsel vm14, v11, v3;
	v5 =	vor.u32 v5, v6  }
0x22: {  	v6 =	vand.u32 $0x7F, v1;
	v1 =	vand.u32 $0x7F, v9;
	v14 =	vadd.s32 v4, v7  }
0x23: {  	v3 =	vshll.u32 v11, $0x3;
	v4 =	vadd.s32 $0x10, v11;
	v16 =	vadd.s32 $0xFFFFFF48, v11  }
0x24: {  	v7 =	vshll.u32 v7, $0x7;
	v10 =	vadd.s32 v10, v13;
	v11 =	vand.u32 $0x7F, v11  }
0x25: {  	v15 =	vshll.u32 v14, $0x8;
	vm15 =	vgt.s32 v4, $0xC7;
	v18 =	vand.u32 $0xFFFFFC00, v3  }
0x26: {  	v7 =	vand.u32 $0x380, v7;
	v15 =	vand.u32 $0xFFFFF800, v15;
	v4 =	vsel vm15, v16, v4  }
0x27: {  	v17 =	vsel vm15, $0x1, v0;
	v10 =	vor.u32 v7, v10;
	v16 =	vshll.u32 v4, $0x3;
	v12 =	vld.idx.msk [tilespmem:v12+s3+$0x0], $0xffff  }
0x28: {  	v3 =	vadd.s32 v17, v14;
	v14 =	vshll.u32 v14, $0x7;
	v62 =	vadd.s32 v18, v15  }
0x29: {  	v1 =	vor.u32 v1, v10;
	v17 =	vshll.u32 v3, $0x8;
	v16 =	vand.u32 $0xFFFFFC00, v16  }
0x2a: {  	v19 =	vshll.u32 v3, $0x7;
	v14 =	vand.u32 $0x380, v14;
	v17 =	vand.u32 $0xFFFFF800, v17  }
0x2b: {  	v63 =	vand.u32 $0x380, v19;
	v13 =	vor.u32 v14, v62;
	v8 =	vadd.s32 v17, v16  }
0x2c: {  	s0 =	simm.s32 $0x4;
	v7 =	vor.u32 v63, v8;
	v8 =	vand.u32 $0x7F, v4;
	[tilespmem:v2+s25+$0x0] =	vst.idx.msk $0xffff, v12;
	v2 =	vor.u32 v11, v13  }
.LBB2_2:
0x2d: {  	s0 =	sadd.s32 $0x4, s0;
	v9 =	vor.u32 v8, v7;
	v7 =	vadd.s32 $0x10, v4;
	v8 =	vor.u32 v6, v5  }
0x2e: {  	v4 =	vadd.s32 $0xFFFFFF48, v4;
	p0 =	slt.u32 s0, $0x31C;
	vm0 =	vgt.s32 v7, $0xC7  }
0x2f: {  	v5 =	vsel vm0, $0x1, v0;
	v6 =	vsel vm0, v4, v7  }
0x30: {  	v5 =	vadd.s32 v5, v3;
	v7 =	vshll.u32 v6, $0x3;
	v3 =	vadd.s32 $0x10, v6  }
0x31: {  	v10 =	vadd.s32 $0xFFFFFF48, v6;
	v4 =	vshll.u32 v5, $0x8;
	vm0 =	vgt.s32 v3, $0xC7;
	v11 =	vld.idx.msk [tilespmem:v2+s22+$0x0], $0xffff  }
0x32: {  	v12 =	vand.u32 $0xFFFFF800, v4;
	v4 =	vsel vm0, $0x1, v0;
	v10 =	vsel vm0, v10, v3;
	v13 =	vld.idx.msk [tilespmem:v1+s22+$0x0], $0xffff  }
0x33: {  	v14 =	vadd.s32 v4, v5;
	v15 =	vshll.u32 v10, $0x3;
	v3 =	vadd.s32 $0x10, v10;
	v16 =	vld.idx.msk [tilespmem:v8+s22+$0x0], $0xffff  }
0x34: {  	v18 =	vadd.s32 $0xFFFFFF48, v10;
	v17 =	vld.idx.msk [tilespmem:v9+s22+$0x0], $0xffff;
	v4 =	vshll.u32 v14, $0x8;
	vm0 =	vgt.s32 v3, $0xC7  }
0x35: {  	v19 =	vand.u32 $0xFFFFF800, v4;
	v4 =	vsel vm0, $0x1, v0;
	v18 =	vsel vm0, v18, v3  }
0x36: {  	v20 =	vadd.s32 v4, v14;
	v3 =	vshll.u32 v18, $0x3;
	v4 =	vadd.s32 $0x10, v18  }
0x37: {  	v22 =	vadd.s32 $0xFFFFFF48, v18;
	v21 =	vshll.u32 v20, $0x8;
	vm0 =	vgt.s32 v4, $0xC7  }
0x38: {  	v21 =	vand.u32 $0xFFFFF800, v21;
	v23 =	vsel vm0, $0x1, v0;
	v4 =	vsel vm0, v22, v4  }
0x39: {  	v24 =	vand.u32 $0xFFFFFC00, v3;
	v22 =	vshll.u32 v4, $0x3;
	v3 =	vadd.s32 v23, v20;
	v11 =	vld.idx.msk [tilespmem:v11+s3+$0x0], $0xffff  }
0x3a: {  	v15 =	vand.u32 $0xFFFFFC00, v15;
	v20 =	vshll.u32 v20, $0x7;
	v23 =	vshll.u32 v3, $0x8;
	v13 =	vld.idx.msk [tilespmem:v13+s3+$0x0], $0xffff  }
0x3b: {  	v7 =	vand.u32 $0xFFFFFC00, v7;
	v5 =	vshll.u32 v5, $0x7;
	v14 =	vshll.u32 v14, $0x7;
	v16 =	vld.idx.msk [tilespmem:v16+s3+$0x0], $0xffff  }
0x3c: {  	v22 =	vand.u32 $0xFFFFFC00, v22;
	v25 =	vshll.u32 v3, $0x7;
	v23 =	vand.u32 $0xFFFFF800, v23;
	v17 =	vld.idx.msk [tilespmem:v17+s3+$0x0], $0xffff  }
0x3d: {  	v15 =	vadd.s32 v15, v19;
	v19 =	vadd.s32 v24, v21;
	v20 =	vand.u32 $0x380, v20  }
.Ltmp0:
0x3e: {  	v7 =	vadd.s32 v7, v12;
	v5 =	vand.u32 $0x380, v5;
	v12 =	vand.u32 $0x380, v14;
	(pc) =	sbr.rel @p0 .LBB2_2-.Ltmp0, $4  }
0x3f: {  	v21 =	vand.u32 $0x380, v25;
	v19 =	vor.u32 v20, v19;
	v14 =	vadd.s32 v23, v22;
	[tilespmem:v2+s25+$0x0] =	vst.idx.msk $0xffff, v11  }
0x40: {  	v5 =	vor.u32 v5, v7;
	v2 =	vor.u32 v12, v15;
	v11 =	vand.u32 $0x7F, v18;
	[tilespmem:v1+s25+$0x0] =	vst.idx.msk $0xffff, v13  }
0x41: {  	v6 =	vand.u32 $0x7F, v6;
	v7 =	vor.u32 v21, v14;
	v1 =	vand.u32 $0x7F, v10;
	[tilespmem:v8+s25+$0x0] =	vst.idx.msk $0xffff, v16  }
0x42: {  	v8 =	vand.u32 $0x7F, v4;
	v1 =	vor.u32 v1, v2;
	v2 =	vor.u32 v11, v19;
	[tilespmem:v9+s25+$0x0] =	vst.idx.msk $0xffff, v17  }
0x43: {  	v9 =	vadd.s32 $0x10, v4  }
0x44: {  	v4 =	vadd.s32 $0xFFFFFF48, v4;
	vm0 =	vgt.s32 v9, $0xC7  }
0x45: {  	v7 =	vor.u32 v8, v7;
	v5 =	vor.u32 v6, v5;
	v4 =	vsel vm0, v4, v9  }
0x46: {  	v8 =	vsel vm0, $0x1, v0;
	v6 =	vadd.s32 $0x10, v4;
	v9 =	vadd.s32 $0xFFFFFF48, v4  }
0x47: {  	v3 =	vadd.s32 v8, v3;
	v8 =	vshll.u32 v4, $0x3;
	vm10 =	vgt.s32 v6, $0xC7  }
0x48: {  	v4 =	vand.u32 $0x7F, v4;
	v8 =	vand.u32 $0xFFFFFC00, v8;
	v6 =	vsel vm10, v9, v6  }
0x49: {  	v9 =	vshll.u32 v3, $0x8;
	v10 =	vsel vm10, $0x1, v0;
	v11 =	vadd.s32 $0x10, v6  }
0x4a: {  	v9 =	vand.u32 $0xFFFFF800, v9;
	v10 =	vadd.s32 v10, v3;
	v12 =	vshll.u32 v6, $0x3  }
0x4b: {  	v13 =	vadd.s32 $0xFFFFFF48, v6;
	v3 =	vshll.u32 v3, $0x7;
	v6 =	vand.u32 $0x7F, v6  }
0x4c: {  	vm11 =	vgt.s32 v11, $0xC7;
	v15 =	vshll.u32 v10, $0x8;
	v12 =	vand.u32 $0xFFFFFC00, v12  }
0x4d: {  	v8 =	vadd.s32 v8, v9;
	v3 =	vand.u32 $0x380, v3;
	v14 =	vsel vm11, $0x1, v0  }
0x4e: {  	v11 =	vsel vm11, v13, v11;
	v51 =	vand.u32 $0xFFFFF800, v15;
	v3 =	vor.u32 v3, v8  }
0x4f: {  	v50 =	vadd.s32 v14, v10;
	v52 =	vshll.u32 v11, $0x3;
	v10 =	vshll.u32 v10, $0x7  }
0x50: {  	v12 =	vadd.s32 v12, v51;
	v11 =	vand.u32 $0x7F, v11;
	v16 =	vshll.u32 v50, $0x8  }
0x51: {  	v15 =	vand.u32 $0xFFFFFC00, v52;
	v13 =	vshll.u32 v50, $0x7;
	v16 =	vand.u32 $0xFFFFF800, v16  }
0x52: {  	v9 =	vand.u32 $0x380, v10;
	v13 =	vand.u32 $0x380, v13;
	v53 =	vadd.s32 v15, v16  }
0x53: {  	v8 =	vld.idx.msk [tilespmem:v1+s22+$0x0], $0xffff;
	v3 =	vor.u32 v4, v3;
	v9 =	vor.u32 v9, v12;
	v10 =	vor.u32 v13, v53  }
0x54: {  	v6 =	vor.u32 v6, v9;
	v10 =	vor.u32 v11, v10;
	v11 =	vld.idx.msk [tilespmem:v2+s22+$0x0], $0xffff;
	_ =	sdelay $0x1  }
0x55: {  	v4 =	vld.idx.msk [tilespmem:v5+s22+$0x0], $0xffff  }
0x56: {  	v9 =	vld.idx.msk [tilespmem:v7+s22+$0x0], $0xffff  }
0x57: {  	v56 =	vld.idx.msk [tilespmem:v3+s22+$0x0], $0xffff  }
0x58: {  	v55 =	vld.idx.msk [tilespmem:v6+s22+$0x0], $0xffff  }
0x59: {  	v54 =	vld.idx.msk [tilespmem:v10+s22+$0x0], $0xffff  }
0x5a: {  	v8 =	vld.idx.msk [tilespmem:v8+s3+$0x0], $0xffff  }
0x5b: {  	v11 =	vld.idx.msk [tilespmem:v11+s3+$0x0], $0xffff;
	_ =	sdelay $0x1  }
0x5c: {  	v4 =	vld.idx.msk [tilespmem:v4+s3+$0x0], $0xffff  }
0x5d: {  	v9 =	vld.idx.msk [tilespmem:v9+s3+$0x0], $0xffff  }
0x5e: {  	[tilespmem:v1+s25+$0x0] =	vst.idx.msk $0xffff, v8;
	v1 =	vld.idx.msk [tilespmem:v56+s3+$0x0], $0xffff  }
0x5f: {  	[tilespmem:v2+s25+$0x0] =	vst.idx.msk $0xffff, v11;
	v2 =	vld.idx.msk [tilespmem:v55+s3+$0x0], $0xffff  }
0x60: {  	v8 =	vimm.s32 $0x0;
	v12 =	vld.idx.msk [tilespmem:v54+s3+$0x0], $0xffff;
	v11 =	vlaneseq.u32  }
0x61: {  	[tilespmem:v5+s25+$0x0] =	vst.idx.msk $0xffff, v4;
	v5 =	vshll.u32 v8, $0x8;
	v4 =	vshll.u32 v11, $0x3  }
0x62: {  	v5 =	vand.u32 $0xFFFFF800, v5;
	[tilespmem:v7+s25+$0x0] =	vst.idx.msk $0xffff, v9;
	v7 =	vshll.u32 v8, $0x7;
	v4 =	vand.u32 $0xFFFFFC00, v4  }
0x63: {  	[tilespmem:v3+s25+$0x0] =	vst.idx.msk $0xffff, v1;
	v4 =	vadd.s32 v5, v4;
	v5 =	vand.u32 $0x380, v7  }
0x64: {  	[tilespmem:v6+s25+$0x0] =	vst.idx.msk $0xffff, v2;
	v2 =	vor.u32 v5, v4;
	v4 =	vadd.s32 $0x10, v11  }
0x65: {  	v1 =	vand.u32 $0x7F, v11;
	v3 =	vadd.s32 $0xFFFFFF48, v11;
	[tilespmem:v10+s25+$0x0] =	vst.idx.msk $0xffff, v12;
	vm12 =	vgt.s32 v4, $0xC7  }
0x66: {  	[hbm4b:s6+s3] =	stream.linear.scatter [tilespmem:s25], [sflag:$0x3], $0x4000, $0x38;
	v1 =	vor.u32 v1, v2;
	v2 =	vsel vm12, $0x1, v0;
	v6 =	vsel vm12, v3, v4;
	[tilespmem:$0x10080] =	vst v63  }
0x67: {  	v2 =	vadd.s32 v2, v8;
	v5 =	vshll.u32 v6, $0x3;
	v3 =	vadd.s32 $0x10, v6  }
0x68: {  	[tilespmem:s22], [sflag:$0x1] =	stream.linear.gather [hbm4b:s7+s3], $0x4000, $0x38;
	v7 =	vadd.s32 $0xFFFFFF48, v6;
	v4 =	vshll.u32 v2, $0x8;
	vm13 =	vgt.s32 v3, $0xC7;
	[tilespmem:$0x10080] =	vst v63  }
0x69: {  	v6 =	vand.u32 $0x7F, v6;
	_ =	swait.ge [sflag:s26], $0x4000;
	v8 =	vand.u32 $0xFFFFF800, v4;
	v4 =	vsel vm13, $0x1, v0  }
0x6a: {  	v5 =	vand.u32 $0xFFFFFC00, v5;
	v9 =	vsel vm13, v7, v3;
	[sflag:s26] =	ssyncset.done $0x0;
	v7 =	vadd.s32 v4, v2  }
0x6b: {  	v10 =	vshll.u32 v9, $0x3;
	v3 =	vadd.s32 $0x10, v9;
	[sflag:s26] =	ssyncadd.s32 $0xFFFFC000;
	v11 =	vadd.s32 $0xFFFFFF48, v9  }
0x6c: {  	v2 =	vshll.u32 v2, $0x7;
	v5 =	vadd.s32 v5, v8;
	v9 =	vand.u32 $0x7F, v9;
	v57 =	vld.idx.msk [tilespmem:v1+s23+$0x0], $0xffff  }
0x6d: {  	v4 =	vshll.u32 v7, $0x8;
	vm14 =	vgt.s32 v3, $0xC7;
	v10 =	vand.u32 $0xFFFFFC00, v10  }
0x6e: {  	v2 =	vand.u32 $0x380, v2;
	v58 =	vand.u32 $0xFFFFF800, v4;
	v4 =	vsel vm14, $0x1, v0  }
0x6f: {  	v11 =	vsel vm14, v11, v3;
	v5 =	vor.u32 v2, v5;
	v59 =	vadd.s32 v4, v7  }
0x70: {  	v3 =	vshll.u32 v11, $0x3;
	v4 =	vadd.s32 $0x10, v11;
	v61 =	vadd.s32 $0xFFFFFF48, v11  }
0x71: {  	v7 =	vshll.u32 v7, $0x7;
	v10 =	vadd.s32 v10, v58;
	v60 =	vshll.u32 v59, $0x8  }
0x72: {  	vm15 =	vgt.s32 v4, $0xC7;
	v18 =	vand.u32 $0xFFFFFC00, v3;
	v14 =	vshll.u32 v59, $0x7  }
0x73: {  	v7 =	vand.u32 $0x380, v7;
	v15 =	vand.u32 $0xFFFFF800, v60;
	v17 =	vsel vm15, $0x1, v0  }
0x74: {  	v4 =	vsel vm15, v61, v4;
	v14 =	vand.u32 $0x380, v14;
	v3 =	vadd.s32 v17, v59;
	v12 =	vld.idx.msk [tilespmem:v57+s3+$0x0], $0xffff  }
0x75: {  	v2 =	vor.u32 v7, v10;
	v16 =	vshll.u32 v4, $0x3;
	v17 =	vshll.u32 v3, $0x8  }
0x76: {  	v16 =	vand.u32 $0xFFFFFC00, v16;
	v19 =	vshll.u32 v3, $0x7;
	v17 =	vand.u32 $0xFFFFF800, v17  }
0x77: {  	v62 =	vadd.s32 v18, v15;
	v63 =	vand.u32 $0x380, v19;
	v8 =	vadd.s32 v17, v16  }
0x78: {  	v10 =	vand.u32 $0x7F, v11;
	v13 =	vor.u32 v14, v62;
	v7 =	vor.u32 v63, v8  }
0x79: {  	s0 =	simm.s32 $0x4;
	v8 =	vand.u32 $0x7F, v4;
	[tilespmem:v1+s28+$0x0] =	vst.idx.msk $0xffff, v12;
	v1 =	vor.u32 v9, v2;
	v2 =	vor.u32 v10, v13  }
.LBB2_4:
0x7a: {  	s0 =	sadd.s32 $0x4, s0;
	v9 =	vor.u32 v8, v7;
	v7 =	vadd.s32 $0x10, v4;
	v8 =	vor.u32 v6, v5  }
0x7b: {  	v4 =	vadd.s32 $0xFFFFFF48, v4;
	p0 =	slt.u32 s0, $0x31C;
	vm0 =	vgt.s32 v7, $0xC7  }
0x7c: {  	v5 =	vsel vm0, $0x1, v0;
	v6 =	vsel vm0, v4, v7  }
0x7d: {  	v5 =	vadd.s32 v5, v3;
	v7 =	vshll.u32 v6, $0x3;
	v3 =	vadd.s32 $0x10, v6  }
0x7e: {  	v10 =	vadd.s32 $0xFFFFFF48, v6;
	v4 =	vshll.u32 v5, $0x8;
	vm0 =	vgt.s32 v3, $0xC7;
	v11 =	vld.idx.msk [tilespmem:v2+s23+$0x0], $0xffff  }
0x7f: {  	v12 =	vand.u32 $0xFFFFF800, v4;
	v4 =	vsel vm0, $0x1, v0;
	v10 =	vsel vm0, v10, v3;
	v13 =	vld.idx.msk [tilespmem:v1+s23+$0x0], $0xffff  }
0x80: {  	v14 =	vadd.s32 v4, v5;
	v15 =	vshll.u32 v10, $0x3;
	v3 =	vadd.s32 $0x10, v10;
	v16 =	vld.idx.msk [tilespmem:v8+s23+$0x0], $0xffff  }
0x81: {  	v18 =	vadd.s32 $0xFFFFFF48, v10;
	v17 =	vld.idx.msk [tilespmem:v9+s23+$0x0], $0xffff;
	v4 =	vshll.u32 v14, $0x8;
	vm0 =	vgt.s32 v3, $0xC7  }
0x82: {  	v19 =	vand.u32 $0xFFFFF800, v4;
	v4 =	vsel vm0, $0x1, v0;
	v18 =	vsel vm0, v18, v3  }
0x83: {  	v20 =	vadd.s32 v4, v14;
	v3 =	vshll.u32 v18, $0x3;
	v4 =	vadd.s32 $0x10, v18  }
0x84: {  	v22 =	vadd.s32 $0xFFFFFF48, v18;
	v21 =	vshll.u32 v20, $0x8;
	vm0 =	vgt.s32 v4, $0xC7  }
0x85: {  	v21 =	vand.u32 $0xFFFFF800, v21;
	v23 =	vsel vm0, $0x1, v0;
	v4 =	vsel vm0, v22, v4  }
0x86: {  	v24 =	vand.u32 $0xFFFFFC00, v3;
	v22 =	vshll.u32 v4, $0x3;
	v3 =	vadd.s32 v23, v20;
	v11 =	vld.idx.msk [tilespmem:v11+s3+$0x0], $0xffff  }
0x87: {  	v15 =	vand.u32 $0xFFFFFC00, v15;
	v20 =	vshll.u32 v20, $0x7;
	v23 =	vshll.u32 v3, $0x8;
	v13 =	vld.idx.msk [tilespmem:v13+s3+$0x0], $0xffff  }
0x88: {  	v7 =	vand.u32 $0xFFFFFC00, v7;
	v5 =	vshll.u32 v5, $0x7;
	v14 =	vshll.u32 v14, $0x7;
	v16 =	vld.idx.msk [tilespmem:v16+s3+$0x0], $0xffff  }
0x89: {  	v22 =	vand.u32 $0xFFFFFC00, v22;
	v25 =	vshll.u32 v3, $0x7;
	v23 =	vand.u32 $0xFFFFF800, v23;
	v17 =	vld.idx.msk [tilespmem:v17+s3+$0x0], $0xffff  }
0x8a: {  	v15 =	vadd.s32 v15, v19;
	v19 =	vadd.s32 v24, v21;
	v20 =	vand.u32 $0x380, v20  }
.Ltmp1:
0x8b: {  	v7 =	vadd.s32 v7, v12;
	v5 =	vand.u32 $0x380, v5;
	v12 =	vand.u32 $0x380, v14;
	(pc) =	sbr.rel @p0 .LBB2_4-.Ltmp1, $4  }
0x8c: {  	v21 =	vand.u32 $0x380, v25;
	v19 =	vor.u32 v20, v19;
	v14 =	vadd.s32 v23, v22;
	[tilespmem:v2+s28+$0x0] =	vst.idx.msk $0xffff, v11  }
0x8d: {  	v5 =	vor.u32 v5, v7;
	v2 =	vor.u32 v12, v15;
	v11 =	vand.u32 $0x7F, v18;
	[tilespmem:v1+s28+$0x0] =	vst.idx.msk $0xffff, v13  }
0x8e: {  	v6 =	vand.u32 $0x7F, v6;
	v7 =	vor.u32 v21, v14;
	v1 =	vand.u32 $0x7F, v10;
	[tilespmem:v8+s28+$0x0] =	vst.idx.msk $0xffff, v16  }
0x8f: {  	v8 =	vand.u32 $0x7F, v4;
	v1 =	vor.u32 v1, v2;
	v2 =	vor.u32 v11, v19;
	[tilespmem:v9+s28+$0x0] =	vst.idx.msk $0xffff, v17  }
0x90: {  	v9 =	vadd.s32 $0x10, v4  }
0x91: {  	v4 =	vadd.s32 $0xFFFFFF48, v4;
	vm0 =	vgt.s32 v9, $0xC7  }
0x92: {  	v7 =	vor.u32 v8, v7;
	v5 =	vor.u32 v6, v5;
	v4 =	vsel vm0, v4, v9  }
0x93: {  	v8 =	vsel vm0, $0x1, v0;
	v6 =	vadd.s32 $0x10, v4;
	v9 =	vadd.s32 $0xFFFFFF48, v4  }
0x94: {  	v3 =	vadd.s32 v8, v3;
	v8 =	vshll.u32 v4, $0x3;
	vm10 =	vgt.s32 v6, $0xC7  }
0x95: {  	v4 =	vand.u32 $0x7F, v4;
	v8 =	vand.u32 $0xFFFFFC00, v8;
	v6 =	vsel vm10, v9, v6  }
0x96: {  	v9 =	vshll.u32 v3, $0x8;
	v10 =	vsel vm10, $0x1, v0;
	v11 =	vadd.s32 $0x10, v6  }
0x97: {  	v9 =	vand.u32 $0xFFFFF800, v9;
	v10 =	vadd.s32 v10, v3;
	v12 =	vshll.u32 v6, $0x3  }
0x98: {  	v13 =	vadd.s32 $0xFFFFFF48, v6;
	v3 =	vshll.u32 v3, $0x7;
	v6 =	vand.u32 $0x7F, v6  }
0x99: {  	vm11 =	vgt.s32 v11, $0xC7;
	v15 =	vshll.u32 v10, $0x8;
	v12 =	vand.u32 $0xFFFFFC00, v12  }
0x9a: {  	v8 =	vadd.s32 v8, v9;
	v3 =	vand.u32 $0x380, v3;
	v14 =	vsel vm11, $0x1, v0  }
0x9b: {  	v11 =	vsel vm11, v13, v11;
	v51 =	vand.u32 $0xFFFFF800, v15;
	v3 =	vor.u32 v3, v8  }
0x9c: {  	v50 =	vadd.s32 v14, v10;
	v52 =	vshll.u32 v11, $0x3;
	v10 =	vshll.u32 v10, $0x7  }
0x9d: {  	v12 =	vadd.s32 v12, v51;
	v11 =	vand.u32 $0x7F, v11;
	v16 =	vshll.u32 v50, $0x8  }
0x9e: {  	v15 =	vand.u32 $0xFFFFFC00, v52;
	v13 =	vshll.u32 v50, $0x7;
	v16 =	vand.u32 $0xFFFFF800, v16  }
0x9f: {  	v9 =	vand.u32 $0x380, v10;
	v13 =	vand.u32 $0x380, v13;
	v53 =	vadd.s32 v15, v16  }
0xa0: {  	v8 =	vld.idx.msk [tilespmem:v1+s23+$0x0], $0xffff;
	v3 =	vor.u32 v4, v3;
	v9 =	vor.u32 v9, v12;
	v10 =	vor.u32 v13, v53  }
0xa1: {  	v6 =	vor.u32 v6, v9;
	v10 =	vor.u32 v11, v10;
	v11 =	vld.idx.msk [tilespmem:v2+s23+$0x0], $0xffff;
	_ =	sdelay $0x1  }
0xa2: {  	v4 =	vld.idx.msk [tilespmem:v5+s23+$0x0], $0xffff  }
0xa3: {  	v9 =	vld.idx.msk [tilespmem:v7+s23+$0x0], $0xffff  }
0xa4: {  	v56 =	vld.idx.msk [tilespmem:v3+s23+$0x0], $0xffff  }
0xa5: {  	v55 =	vld.idx.msk [tilespmem:v6+s23+$0x0], $0xffff  }
0xa6: {  	v54 =	vld.idx.msk [tilespmem:v10+s23+$0x0], $0xffff  }
0xa7: {  	v8 =	vld.idx.msk [tilespmem:v8+s3+$0x0], $0xffff  }
0xa8: {  	v11 =	vld.idx.msk [tilespmem:v11+s3+$0x0], $0xffff;
	_ =	sdelay $0x1  }
0xa9: {  	v4 =	vld.idx.msk [tilespmem:v4+s3+$0x0], $0xffff  }
0xaa: {  	v9 =	vld.idx.msk [tilespmem:v9+s3+$0x0], $0xffff  }
0xab: {  	[tilespmem:v1+s28+$0x0] =	vst.idx.msk $0xffff, v8;
	v1 =	vld.idx.msk [tilespmem:v56+s3+$0x0], $0xffff  }
0xac: {  	[tilespmem:v2+s28+$0x0] =	vst.idx.msk $0xffff, v11;
	v2 =	vld.idx.msk [tilespmem:v55+s3+$0x0], $0xffff  }
0xad: {  	v12 =	vld.idx.msk [tilespmem:v54+s3+$0x0], $0xffff  }
0xae: {  	[tilespmem:v5+s28+$0x0] =	vst.idx.msk $0xffff, v4  }
0xaf: {  	[tilespmem:v7+s28+$0x0] =	vst.idx.msk $0xffff, v9  }
0xb0: {  	v4 =	vimm.s32 $0x0;
	v5 =	vlaneseq.u32;
	[tilespmem:v3+s28+$0x0] =	vst.idx.msk $0xffff, v1  }
0xb1: {  	[tilespmem:v6+s28+$0x0] =	vst.idx.msk $0xffff, v2;
	v2 =	vshll.u32 v5, $0x3;
	v6 =	vshll.u32 v4, $0x8  }
0xb2: {  	v3 =	vshll.u32 v4, $0x7;
	[tilespmem:v10+s28+$0x0] =	vst.idx.msk $0xffff, v12;
	v1 =	vand.u32 $0xFFFFF800, v6;
	v2 =	vand.u32 $0xFFFFFC00, v2  }
0xb3: {  	[hbm4b:s8+s3] =	stream.linear.scatter [tilespmem:s28], [sflag:$0x4], $0x4000, $0x38;
	v1 =	vadd.s32 v1, v2;
	v2 =	vand.u32 $0x380, v3;
	[tilespmem:$0x10080] =	vst v63  }
0xb4: {  	v1 =	vor.u32 v2, v1;
	v2 =	vadd.s32 $0x10, v5  }
0xb5: {  	v3 =	vand.u32 $0x7F, v5;
	[tilespmem:s23], [sflag:$0x2] =	stream.linear.gather [hbm4b:s9+s3], $0x4000, $0x38;
	v5 =	vadd.s32 $0xFFFFFF48, v5;
	vm12 =	vgt.s32 v2, $0xC7;
	[tilespmem:$0x10080] =	vst v63  }
0xb6: {  	_ =	swait.ge [sflag:s24], $0x4000;
	v1 =	vor.u32 v3, v1;
	v3 =	vsel vm12, $0x1, v0;
	v2 =	vsel vm12, v5, v2  }
0xb7: {  	[sflag:s24] =	ssyncset.done $0x0;
	v5 =	vadd.s32 v3, v4;
	v6 =	vshll.u32 v2, $0x3;
	v3 =	vadd.s32 $0x10, v2  }
0xb8: {  	[sflag:s24] =	ssyncadd.s32 $0xFFFFC000;
	v7 =	vadd.s32 $0xFFFFFF48, v2;
	v4 =	vshll.u32 v5, $0x8;
	vm13 =	vgt.s32 v3, $0xC7  }
0xb9: {  	_ =	swait.ge [sflag:s29], $0x4000;
	v8 =	vand.u32 $0xFFFFF800, v4;
	v4 =	vsel vm13, $0x1, v0;
	v9 =	vsel vm13, v7, v3  }
0xba: {  	v6 =	vand.u32 $0xFFFFFC00, v6;
	[sflag:s29] =	ssyncset.done $0x0;
	v7 =	vadd.s32 v4, v5;
	v10 =	vshll.u32 v9, $0x3  }
0xbb: {  	v3 =	vadd.s32 $0x10, v9;
	[sflag:s29] =	ssyncadd.s32 $0xFFFFC000;
	v11 =	vadd.s32 $0xFFFFFF48, v9;
	v5 =	vshll.u32 v5, $0x7  }
0xbc: {  	v6 =	vadd.s32 v6, v8;
	v4 =	vshll.u32 v7, $0x8;
	vm14 =	vgt.s32 v3, $0xC7;
	v57 =	vld.idx.msk [tilespmem:v1+s22+$0x0], $0xffff  }
0xbd: {  	v10 =	vand.u32 $0xFFFFFC00, v10;
	v5 =	vand.u32 $0x380, v5;
	v58 =	vand.u32 $0xFFFFF800, v4  }
0xbe: {  	v4 =	vsel vm14, $0x1, v0;
	v11 =	vsel vm14, v11, v3;
	v5 =	vor.u32 v5, v6  }
0xbf: {  	v6 =	vand.u32 $0x7F, v2;
	v2 =	vand.u32 $0x7F, v9;
	v59 =	vadd.s32 v4, v7  }
0xc0: {  	v3 =	vshll.u32 v11, $0x3;
	v4 =	vadd.s32 $0x10, v11;
	v61 =	vadd.s32 $0xFFFFFF48, v11  }
0xc1: {  	v7 =	vshll.u32 v7, $0x7;
	v10 =	vadd.s32 v10, v58;
	v11 =	vand.u32 $0x7F, v11  }
0xc2: {  	v60 =	vshll.u32 v59, $0x8;
	vm15 =	vgt.s32 v4, $0xC7;
	v18 =	vand.u32 $0xFFFFFC00, v3  }
0xc3: {  	v14 =	vshll.u32 v59, $0x7;
	v7 =	vand.u32 $0x380, v7;
	v17 =	vsel vm15, $0x1, v0  }
0xc4: {  	v15 =	vand.u32 $0xFFFFF800, v60;
	v4 =	vsel vm15, v61, v4;
	v3 =	vadd.s32 v17, v59;
	v12 =	vld.idx.msk [tilespmem:v57+s3+$0x0], $0xffff  }
0xc5: {  	v14 =	vand.u32 $0x380, v14;
	v16 =	vshll.u32 v4, $0x3;
	v17 =	vshll.u32 v3, $0x8  }
0xc6: {  	v16 =	vand.u32 $0xFFFFFC00, v16;
	v19 =	vshll.u32 v3, $0x7;
	v17 =	vand.u32 $0xFFFFF800, v17  }
0xc7: {  	v62 =	vadd.s32 v18, v15;
	v63 =	vand.u32 $0x380, v19;
	v8 =	vadd.s32 v17, v16  }
0xc8: {  	v10 =	vor.u32 v7, v10;
	v13 =	vor.u32 v14, v62;
	v7 =	vor.u32 v63, v8  }
0xc9: {  	s0 =	simm.s32 $0x4;
	v8 =	vand.u32 $0x7F, v4;
	[tilespmem:v1+s25+$0x0] =	vst.idx.msk $0xffff, v12;
	v1 =	vor.u32 v2, v10;
	v2 =	vor.u32 v11, v13  }
.LBB2_6:
0xca: {  	s0 =	sadd.s32 $0x4, s0;
	v9 =	vor.u32 v8, v7;
	v7 =	vadd.s32 $0x10, v4;
	v8 =	vor.u32 v6, v5  }
0xcb: {  	v4 =	vadd.s32 $0xFFFFFF48, v4;
	p0 =	slt.u32 s0, $0x31C;
	vm0 =	vgt.s32 v7, $0xC7  }
0xcc: {  	v5 =	vsel vm0, $0x1, v0;
	v6 =	vsel vm0, v4, v7  }
0xcd: {  	v5 =	vadd.s32 v5, v3;
	v7 =	vshll.u32 v6, $0x3;
	v3 =	vadd.s32 $0x10, v6  }
0xce: {  	v10 =	vadd.s32 $0xFFFFFF48, v6;
	v4 =	vshll.u32 v5, $0x8;
	vm0 =	vgt.s32 v3, $0xC7;
	v11 =	vld.idx.msk [tilespmem:v2+s22+$0x0], $0xffff  }
0xcf: {  	v12 =	vand.u32 $0xFFFFF800, v4;
	v4 =	vsel vm0, $0x1, v0;
	v10 =	vsel vm0, v10, v3;
	v13 =	vld.idx.msk [tilespmem:v1+s22+$0x0], $0xffff  }
0xd0: {  	v14 =	vadd.s32 v4, v5;
	v15 =	vshll.u32 v10, $0x3;
	v3 =	vadd.s32 $0x10, v10;
	v16 =	vld.idx.msk [tilespmem:v8+s22+$0x0], $0xffff  }
0xd1: {  	v18 =	vadd.s32 $0xFFFFFF48, v10;
	v17 =	vld.idx.msk [tilespmem:v9+s22+$0x0], $0xffff;
	v4 =	vshll.u32 v14, $0x8;
	vm0 =	vgt.s32 v3, $0xC7  }
0xd2: {  	v19 =	vand.u32 $0xFFFFF800, v4;
	v4 =	vsel vm0, $0x1, v0;
	v18 =	vsel vm0, v18, v3  }
0xd3: {  	v20 =	vadd.s32 v4, v14;
	v3 =	vshll.u32 v18, $0x3;
	v4 =	vadd.s32 $0x10, v18  }
0xd4: {  	v22 =	vadd.s32 $0xFFFFFF48, v18;
	v21 =	vshll.u32 v20, $0x8;
	vm0 =	vgt.s32 v4, $0xC7  }
0xd5: {  	v21 =	vand.u32 $0xFFFFF800, v21;
	v23 =	vsel vm0, $0x1, v0;
	v4 =	vsel vm0, v22, v4  }
0xd6: {  	v24 =	vand.u32 $0xFFFFFC00, v3;
	v22 =	vshll.u32 v4, $0x3;
	v3 =	vadd.s32 v23, v20;
	v11 =	vld.idx.msk [tilespmem:v11+s3+$0x0], $0xffff  }
0xd7: {  	v15 =	vand.u32 $0xFFFFFC00, v15;
	v20 =	vshll.u32 v20, $0x7;
	v23 =	vshll.u32 v3, $0x8;
	v13 =	vld.idx.msk [tilespmem:v13+s3+$0x0], $0xffff  }
0xd8: {  	v7 =	vand.u32 $0xFFFFFC00, v7;
	v5 =	vshll.u32 v5, $0x7;
	v14 =	vshll.u32 v14, $0x7;
	v16 =	vld.idx.msk [tilespmem:v16+s3+$0x0], $0xffff  }
0xd9: {  	v22 =	vand.u32 $0xFFFFFC00, v22;
	v25 =	vshll.u32 v3, $0x7;
	v23 =	vand.u32 $0xFFFFF800, v23;
	v17 =	vld.idx.msk [tilespmem:v17+s3+$0x0], $0xffff  }
0xda: {  	v15 =	vadd.s32 v15, v19;
	v19 =	vadd.s32 v24, v21;
	v20 =	vand.u32 $0x380, v20  }
.Ltmp2:
0xdb: {  	v7 =	vadd.s32 v7, v12;
	v5 =	vand.u32 $0x380, v5;
	v12 =	vand.u32 $0x380, v14;
	(pc) =	sbr.rel @p0 .LBB2_6-.Ltmp2, $4  }
0xdc: {  	v21 =	vand.u32 $0x380, v25;
	v19 =	vor.u32 v20, v19;
	v14 =	vadd.s32 v23, v22;
	[tilespmem:v2+s25+$0x0] =	vst.idx.msk $0xffff, v11  }
0xdd: {  	v5 =	vor.u32 v5, v7;
	v2 =	vor.u32 v12, v15;
	v11 =	vand.u32 $0x7F, v18;
	[tilespmem:v1+s25+$0x0] =	vst.idx.msk $0xffff, v13  }
0xde: {  	v6 =	vand.u32 $0x7F, v6;
	v7 =	vor.u32 v21, v14;
	v1 =	vand.u32 $0x7F, v10;
	[tilespmem:v8+s25+$0x0] =	vst.idx.msk $0xffff, v16  }
0xdf: {  	v8 =	vand.u32 $0x7F, v4;
	v1 =	vor.u32 v1, v2;
	v2 =	vor.u32 v11, v19;
	[tilespmem:v9+s25+$0x0] =	vst.idx.msk $0xffff, v17  }
0xe0: {  	v9 =	vadd.s32 $0x10, v4  }
0xe1: {  	v4 =	vadd.s32 $0xFFFFFF48, v4;
	vm0 =	vgt.s32 v9, $0xC7  }
0xe2: {  	v7 =	vor.u32 v8, v7;
	v5 =	vor.u32 v6, v5;
	v4 =	vsel vm0, v4, v9  }
0xe3: {  	v8 =	vsel vm0, $0x1, v0;
	v6 =	vadd.s32 $0x10, v4;
	v9 =	vadd.s32 $0xFFFFFF48, v4  }
0xe4: {  	v3 =	vadd.s32 v8, v3;
	v8 =	vshll.u32 v4, $0x3;
	vm10 =	vgt.s32 v6, $0xC7  }
0xe5: {  	v4 =	vand.u32 $0x7F, v4;
	v8 =	vand.u32 $0xFFFFFC00, v8;
	v6 =	vsel vm10, v9, v6  }
0xe6: {  	v9 =	vshll.u32 v3, $0x8;
	v10 =	vsel vm10, $0x1, v0;
	v11 =	vadd.s32 $0x10, v6  }
0xe7: {  	v9 =	vand.u32 $0xFFFFF800, v9;
	v10 =	vadd.s32 v10, v3;
	v12 =	vshll.u32 v6, $0x3  }
0xe8: {  	v13 =	vadd.s32 $0xFFFFFF48, v6;
	v3 =	vshll.u32 v3, $0x7;
	v6 =	vand.u32 $0x7F, v6  }
0xe9: {  	vm11 =	vgt.s32 v11, $0xC7;
	v15 =	vshll.u32 v10, $0x8;
	v12 =	vand.u32 $0xFFFFFC00, v12  }
0xea: {  	v8 =	vadd.s32 v8, v9;
	v3 =	vand.u32 $0x380, v3;
	v14 =	vsel vm11, $0x1, v0  }
0xeb: {  	v11 =	vsel vm11, v13, v11;
	v51 =	vand.u32 $0xFFFFF800, v15;
	v3 =	vor.u32 v3, v8  }
0xec: {  	v50 =	vadd.s32 v14, v10;
	v52 =	vshll.u32 v11, $0x3;
	v10 =	vshll.u32 v10, $0x7  }
0xed: {  	v12 =	vadd.s32 v12, v51;
	v11 =	vand.u32 $0x7F, v11;
	v16 =	vshll.u32 v50, $0x8  }
0xee: {  	v15 =	vand.u32 $0xFFFFFC00, v52;
	v13 =	vshll.u32 v50, $0x7;
	v16 =	vand.u32 $0xFFFFF800, v16  }
0xef: {  	v9 =	vand.u32 $0x380, v10;
	v13 =	vand.u32 $0x380, v13;
	v53 =	vadd.s32 v15, v16  }
0xf0: {  	v8 =	vld.idx.msk [tilespmem:v1+s22+$0x0], $0xffff;
	v3 =	vor.u32 v4, v3;
	v9 =	vor.u32 v9, v12;
	v10 =	vor.u32 v13, v53  }
0xf1: {  	v6 =	vor.u32 v6, v9;
	v10 =	vor.u32 v11, v10;
	v11 =	vld.idx.msk [tilespmem:v2+s22+$0x0], $0xffff;
	_ =	sdelay $0x1  }
0xf2: {  	v4 =	vld.idx.msk [tilespmem:v5+s22+$0x0], $0xffff  }
0xf3: {  	v9 =	vld.idx.msk [tilespmem:v7+s22+$0x0], $0xffff  }
0xf4: {  	v56 =	vld.idx.msk [tilespmem:v3+s22+$0x0], $0xffff  }
0xf5: {  	v55 =	vld.idx.msk [tilespmem:v6+s22+$0x0], $0xffff  }
0xf6: {  	v54 =	vld.idx.msk [tilespmem:v10+s22+$0x0], $0xffff  }
0xf7: {  	v8 =	vld.idx.msk [tilespmem:v8+s3+$0x0], $0xffff  }
0xf8: {  	v11 =	vld.idx.msk [tilespmem:v11+s3+$0x0], $0xffff;
	_ =	sdelay $0x1  }
0xf9: {  	v4 =	vld.idx.msk [tilespmem:v4+s3+$0x0], $0xffff  }
0xfa: {  	v9 =	vld.idx.msk [tilespmem:v9+s3+$0x0], $0xffff  }
0xfb: {  	[tilespmem:v1+s25+$0x0] =	vst.idx.msk $0xffff, v8;
	v1 =	vld.idx.msk [tilespmem:v56+s3+$0x0], $0xffff  }
0xfc: {  	[tilespmem:v2+s25+$0x0] =	vst.idx.msk $0xffff, v11;
	v2 =	vld.idx.msk [tilespmem:v55+s3+$0x0], $0xffff  }
0xfd: {  	v12 =	vld.idx.msk [tilespmem:v54+s3+$0x0], $0xffff  }
0xfe: {  	[tilespmem:v5+s25+$0x0] =	vst.idx.msk $0xffff, v4  }
0xff: {  	[tilespmem:v7+s25+$0x0] =	vst.idx.msk $0xffff, v9  }
0x100: {  	v4 =	vimm.s32 $0x0;
	v5 =	vlaneseq.u32;
	[tilespmem:v3+s25+$0x0] =	vst.idx.msk $0xffff, v1  }
0x101: {  	[tilespmem:v6+s25+$0x0] =	vst.idx.msk $0xffff, v2;
	v2 =	vshll.u32 v5, $0x3;
	v6 =	vshll.u32 v4, $0x8  }
0x102: {  	v3 =	vshll.u32 v4, $0x7;
	[tilespmem:v10+s25+$0x0] =	vst.idx.msk $0xffff, v12;
	v1 =	vand.u32 $0xFFFFF800, v6;
	v2 =	vand.u32 $0xFFFFFC00, v2  }
0x103: {  	[hbm4b:s10+s3] =	stream.linear.scatter [tilespmem:s25], [sflag:$0x3], $0x4000, $0x38;
	v1 =	vadd.s32 v1, v2;
	v2 =	vand.u32 $0x380, v3;
	[tilespmem:$0x10080] =	vst v63  }
0x104: {  	v1 =	vor.u32 v2, v1;
	v2 =	vadd.s32 $0x10, v5  }
0x105: {  	v3 =	vand.u32 $0x7F, v5;
	[tilespmem:s22], [sflag:$0x1] =	stream.linear.gather [hbm4b:s11+s3], $0x4000, $0x38;
	v5 =	vadd.s32 $0xFFFFFF48, v5;
	vm12 =	vgt.s32 v2, $0xC7;
	[tilespmem:$0x10080] =	vst v63  }
0x106: {  	_ =	swait.ge [sflag:s26], $0x4000;
	v1 =	vor.u32 v3, v1;
	v3 =	vsel vm12, $0x1, v0;
	v2 =	vsel vm12, v5, v2  }
0x107: {  	[sflag:s26] =	ssyncset.done $0x0;
	v5 =	vadd.s32 v3, v4;
	v6 =	vshll.u32 v2, $0x3;
	v3 =	vadd.s32 $0x10, v2  }
0x108: {  	[sflag:s26] =	ssyncadd.s32 $0xFFFFC000;
	v7 =	vadd.s32 $0xFFFFFF48, v2;
	v4 =	vshll.u32 v5, $0x8;
	vm13 =	vgt.s32 v3, $0xC7  }
0x109: {  	_ =	swait.ge [sflag:s30], $0x4000;
	v8 =	vand.u32 $0xFFFFF800, v4;
	v4 =	vsel vm13, $0x1, v0;
	v9 =	vsel vm13, v7, v3  }
0x10a: {  	v6 =	vand.u32 $0xFFFFFC00, v6;
	[sflag:s30] =	ssyncset.done $0x0;
	v7 =	vadd.s32 v4, v5;
	v10 =	vshll.u32 v9, $0x3  }
0x10b: {  	v3 =	vadd.s32 $0x10, v9;
	[sflag:s30] =	ssyncadd.s32 $0xFFFFC000;
	v11 =	vadd.s32 $0xFFFFFF48, v9;
	v5 =	vshll.u32 v5, $0x7  }
0x10c: {  	v6 =	vadd.s32 v6, v8;
	v4 =	vshll.u32 v7, $0x8;
	vm14 =	vgt.s32 v3, $0xC7;
	v57 =	vld.idx.msk [tilespmem:v1+s23+$0x0], $0xffff  }
0x10d: {  	v10 =	vand.u32 $0xFFFFFC00, v10;
	v5 =	vand.u32 $0x380, v5;
	v58 =	vand.u32 $0xFFFFF800, v4  }
0x10e: {  	v4 =	vsel vm14, $0x1, v0;
	v11 =	vsel vm14, v11, v3;
	v5 =	vor.u32 v5, v6  }
0x10f: {  	v6 =	vand.u32 $0x7F, v2;
	v2 =	vand.u32 $0x7F, v9;
	v59 =	vadd.s32 v4, v7  }
0x110: {  	v3 =	vshll.u32 v11, $0x3;
	v4 =	vadd.s32 $0x10, v11;
	v61 =	vadd.s32 $0xFFFFFF48, v11  }
0x111: {  	v7 =	vshll.u32 v7, $0x7;
	v10 =	vadd.s32 v10, v58;
	v11 =	vand.u32 $0x7F, v11  }
0x112: {  	v60 =	vshll.u32 v59, $0x8;
	vm15 =	vgt.s32 v4, $0xC7;
	v18 =	vand.u32 $0xFFFFFC00, v3  }
0x113: {  	v14 =	vshll.u32 v59, $0x7;
	v7 =	vand.u32 $0x380, v7;
	v17 =	vsel vm15, $0x1, v0  }
0x114: {  	v15 =	vand.u32 $0xFFFFF800, v60;
	v4 =	vsel vm15, v61, v4;
	v3 =	vadd.s32 v17, v59;
	v12 =	vld.idx.msk [tilespmem:v57+s3+$0x0], $0xffff  }
0x115: {  	v14 =	vand.u32 $0x380, v14;
	v16 =	vshll.u32 v4, $0x3;
	v17 =	vshll.u32 v3, $0x8  }
0x116: {  	v16 =	vand.u32 $0xFFFFFC00, v16;
	v19 =	vshll.u32 v3, $0x7;
	v17 =	vand.u32 $0xFFFFF800, v17  }
0x117: {  	v62 =	vadd.s32 v18, v15;
	v63 =	vand.u32 $0x380, v19;
	v8 =	vadd.s32 v17, v16  }
0x118: {  	v10 =	vor.u32 v7, v10;
	v13 =	vor.u32 v14, v62;
	v7 =	vor.u32 v63, v8  }
0x119: {  	s0 =	simm.s32 $0x4;
	v8 =	vand.u32 $0x7F, v4;
	[tilespmem:v1+s28+$0x0] =	vst.idx.msk $0xffff, v12;
	v1 =	vor.u32 v2, v10;
	v2 =	vor.u32 v11, v13  }
.LBB2_8:
0x11a: {  	s0 =	sadd.s32 $0x4, s0;
	v9 =	vor.u32 v8, v7;
	v7 =	vadd.s32 $0x10, v4;
	v8 =	vor.u32 v6, v5  }
0x11b: {  	v4 =	vadd.s32 $0xFFFFFF48, v4;
	p0 =	slt.u32 s0, $0x31C;
	vm0 =	vgt.s32 v7, $0xC7  }
0x11c: {  	v5 =	vsel vm0, $0x1, v0;
	v6 =	vsel vm0, v4, v7  }
0x11d: {  	v5 =	vadd.s32 v5, v3;
	v7 =	vshll.u32 v6, $0x3;
	v3 =	vadd.s32 $0x10, v6  }
0x11e: {  	v10 =	vadd.s32 $0xFFFFFF48, v6;
	v4 =	vshll.u32 v5, $0x8;
	vm0 =	vgt.s32 v3, $0xC7;
	v11 =	vld.idx.msk [tilespmem:v2+s23+$0x0], $0xffff  }
0x11f: {  	v12 =	vand.u32 $0xFFFFF800, v4;
	v4 =	vsel vm0, $0x1, v0;
	v10 =	vsel vm0, v10, v3;
	v13 =	vld.idx.msk [tilespmem:v1+s23+$0x0], $0xffff  }
0x120: {  	v14 =	vadd.s32 v4, v5;
	v15 =	vshll.u32 v10, $0x3;
	v3 =	vadd.s32 $0x10, v10;
	v16 =	vld.idx.msk [tilespmem:v8+s23+$0x0], $0xffff  }
0x121: {  	v18 =	vadd.s32 $0xFFFFFF48, v10;
	v17 =	vld.idx.msk [tilespmem:v9+s23+$0x0], $0xffff;
	v4 =	vshll.u32 v14, $0x8;
	vm0 =	vgt.s32 v3, $0xC7  }
0x122: {  	v19 =	vand.u32 $0xFFFFF800, v4;
	v4 =	vsel vm0, $0x1, v0;
	v18 =	vsel vm0, v18, v3  }
0x123: {  	v20 =	vadd.s32 v4, v14;
	v3 =	vshll.u32 v18, $0x3;
	v4 =	vadd.s32 $0x10, v18  }
0x124: {  	v22 =	vadd.s32 $0xFFFFFF48, v18;
	v21 =	vshll.u32 v20, $0x8;
	vm0 =	vgt.s32 v4, $0xC7  }
0x125: {  	v21 =	vand.u32 $0xFFFFF800, v21;
	v23 =	vsel vm0, $0x1, v0;
	v4 =	vsel vm0, v22, v4  }
0x126: {  	v24 =	vand.u32 $0xFFFFFC00, v3;
	v22 =	vshll.u32 v4, $0x3;
	v3 =	vadd.s32 v23, v20;
	v11 =	vld.idx.msk [tilespmem:v11+s3+$0x0], $0xffff  }
0x127: {  	v15 =	vand.u32 $0xFFFFFC00, v15;
	v20 =	vshll.u32 v20, $0x7;
	v23 =	vshll.u32 v3, $0x8;
	v13 =	vld.idx.msk [tilespmem:v13+s3+$0x0], $0xffff  }
0x128: {  	v7 =	vand.u32 $0xFFFFFC00, v7;
	v5 =	vshll.u32 v5, $0x7;
	v14 =	vshll.u32 v14, $0x7;
	v16 =	vld.idx.msk [tilespmem:v16+s3+$0x0], $0xffff  }
0x129: {  	v22 =	vand.u32 $0xFFFFFC00, v22;
	v25 =	vshll.u32 v3, $0x7;
	v23 =	vand.u32 $0xFFFFF800, v23;
	v17 =	vld.idx.msk [tilespmem:v17+s3+$0x0], $0xffff  }
0x12a: {  	v15 =	vadd.s32 v15, v19;
	v19 =	vadd.s32 v24, v21;
	v20 =	vand.u32 $0x380, v20  }
.Ltmp3:
0x12b: {  	v7 =	vadd.s32 v7, v12;
	v5 =	vand.u32 $0x380, v5;
	v12 =	vand.u32 $0x380, v14;
	(pc) =	sbr.rel @p0 .LBB2_8-.Ltmp3, $4  }
0x12c: {  	v21 =	vand.u32 $0x380, v25;
	v19 =	vor.u32 v20, v19;
	v14 =	vadd.s32 v23, v22;
	[tilespmem:v2+s28+$0x0] =	vst.idx.msk $0xffff, v11  }
0x12d: {  	v5 =	vor.u32 v5, v7;
	v2 =	vor.u32 v12, v15;
	v11 =	vand.u32 $0x7F, v18;
	[tilespmem:v1+s28+$0x0] =	vst.idx.msk $0xffff, v13  }
0x12e: {  	v6 =	vand.u32 $0x7F, v6;
	v7 =	vor.u32 v21, v14;
	v1 =	vand.u32 $0x7F, v10;
	[tilespmem:v8+s28+$0x0] =	vst.idx.msk $0xffff, v16  }
0x12f: {  	v8 =	vand.u32 $0x7F, v4;
	v1 =	vor.u32 v1, v2;
	v2 =	vor.u32 v11, v19;
	[tilespmem:v9+s28+$0x0] =	vst.idx.msk $0xffff, v17  }
0x130: {  	v9 =	vadd.s32 $0x10, v4  }
0x131: {  	v4 =	vadd.s32 $0xFFFFFF48, v4;
	vm0 =	vgt.s32 v9, $0xC7  }
0x132: {  	v7 =	vor.u32 v8, v7;
	v5 =	vor.u32 v6, v5;
	v4 =	vsel vm0, v4, v9  }
0x133: {  	v8 =	vsel vm0, $0x1, v0;
	v6 =	vadd.s32 $0x10, v4;
	v9 =	vadd.s32 $0xFFFFFF48, v4  }
0x134: {  	v3 =	vadd.s32 v8, v3;
	v8 =	vshll.u32 v4, $0x3;
	vm10 =	vgt.s32 v6, $0xC7  }
0x135: {  	v4 =	vand.u32 $0x7F, v4;
	v8 =	vand.u32 $0xFFFFFC00, v8;
	v6 =	vsel vm10, v9, v6  }
0x136: {  	v9 =	vshll.u32 v3, $0x8;
	v10 =	vsel vm10, $0x1, v0;
	v11 =	vadd.s32 $0x10, v6  }
0x137: {  	v9 =	vand.u32 $0xFFFFF800, v9;
	v10 =	vadd.s32 v10, v3;
	v12 =	vshll.u32 v6, $0x3  }
0x138: {  	v13 =	vadd.s32 $0xFFFFFF48, v6;
	v3 =	vshll.u32 v3, $0x7;
	v6 =	vand.u32 $0x7F, v6  }
0x139: {  	vm11 =	vgt.s32 v11, $0xC7;
	v15 =	vshll.u32 v10, $0x8;
	v12 =	vand.u32 $0xFFFFFC00, v12  }
0x13a: {  	v8 =	vadd.s32 v8, v9;
	v3 =	vand.u32 $0x380, v3;
	v14 =	vsel vm11, $0x1, v0  }
0x13b: {  	v11 =	vsel vm11, v13, v11;
	v51 =	vand.u32 $0xFFFFF800, v15;
	v3 =	vor.u32 v3, v8  }
0x13c: {  	v50 =	vadd.s32 v14, v10;
	v52 =	vshll.u32 v11, $0x3;
	v10 =	vshll.u32 v10, $0x7  }
0x13d: {  	v12 =	vadd.s32 v12, v51;
	v11 =	vand.u32 $0x7F, v11;
	v16 =	vshll.u32 v50, $0x8  }
0x13e: {  	v15 =	vand.u32 $0xFFFFFC00, v52;
	v13 =	vshll.u32 v50, $0x7;
	v16 =	vand.u32 $0xFFFFF800, v16  }
0x13f: {  	v9 =	vand.u32 $0x380, v10;
	v13 =	vand.u32 $0x380, v13;
	v53 =	vadd.s32 v15, v16  }
0x140: {  	v8 =	vld.idx.msk [tilespmem:v1+s23+$0x0], $0xffff;
	v3 =	vor.u32 v4, v3;
	v9 =	vor.u32 v9, v12;
	v10 =	vor.u32 v13, v53  }
0x141: {  	v6 =	vor.u32 v6, v9;
	v10 =	vor.u32 v11, v10;
	v11 =	vld.idx.msk [tilespmem:v2+s23+$0x0], $0xffff;
	_ =	sdelay $0x1  }
0x142: {  	v4 =	vld.idx.msk [tilespmem:v5+s23+$0x0], $0xffff  }
0x143: {  	v9 =	vld.idx.msk [tilespmem:v7+s23+$0x0], $0xffff  }
0x144: {  	v56 =	vld.idx.msk [tilespmem:v3+s23+$0x0], $0xffff  }
0x145: {  	v55 =	vld.idx.msk [tilespmem:v6+s23+$0x0], $0xffff  }
0x146: {  	v54 =	vld.idx.msk [tilespmem:v10+s23+$0x0], $0xffff  }
0x147: {  	v8 =	vld.idx.msk [tilespmem:v8+s3+$0x0], $0xffff  }
0x148: {  	v11 =	vld.idx.msk [tilespmem:v11+s3+$0x0], $0xffff;
	_ =	sdelay $0x1  }
0x149: {  	v4 =	vld.idx.msk [tilespmem:v4+s3+$0x0], $0xffff  }
0x14a: {  	v9 =	vld.idx.msk [tilespmem:v9+s3+$0x0], $0xffff  }
0x14b: {  	[tilespmem:v1+s28+$0x0] =	vst.idx.msk $0xffff, v8;
	v1 =	vld.idx.msk [tilespmem:v56+s3+$0x0], $0xffff  }
0x14c: {  	[tilespmem:v2+s28+$0x0] =	vst.idx.msk $0xffff, v11;
	v2 =	vld.idx.msk [tilespmem:v55+s3+$0x0], $0xffff  }
0x14d: {  	v12 =	vld.idx.msk [tilespmem:v54+s3+$0x0], $0xffff  }
0x14e: {  	[tilespmem:v5+s28+$0x0] =	vst.idx.msk $0xffff, v4  }
0x14f: {  	[tilespmem:v7+s28+$0x0] =	vst.idx.msk $0xffff, v9  }
0x150: {  	v4 =	vimm.s32 $0x0;
	v5 =	vlaneseq.u32;
	[tilespmem:v3+s28+$0x0] =	vst.idx.msk $0xffff, v1  }
0x151: {  	[tilespmem:v6+s28+$0x0] =	vst.idx.msk $0xffff, v2;
	v2 =	vshll.u32 v5, $0x3;
	v6 =	vshll.u32 v4, $0x8  }
0x152: {  	v3 =	vshll.u32 v4, $0x7;
	[tilespmem:v10+s28+$0x0] =	vst.idx.msk $0xffff, v12;
	v1 =	vand.u32 $0xFFFFF800, v6;
	v2 =	vand.u32 $0xFFFFFC00, v2  }
0x153: {  	[hbm4b:s12+s3] =	stream.linear.scatter [tilespmem:s28], [sflag:$0x4], $0x4000, $0x38;
	v1 =	vadd.s32 v1, v2;
	v2 =	vand.u32 $0x380, v3;
	[tilespmem:$0x10080] =	vst v63  }
0x154: {  	v1 =	vor.u32 v2, v1;
	v2 =	vadd.s32 $0x10, v5  }
0x155: {  	v3 =	vand.u32 $0x7F, v5;
	[tilespmem:s23], [sflag:$0x2] =	stream.linear.gather [hbm4b:s13+s3], $0x4000, $0x38;
	v5 =	vadd.s32 $0xFFFFFF48, v5;
	vm12 =	vgt.s32 v2, $0xC7;
	[tilespmem:$0x10080] =	vst v63  }
0x156: {  	_ =	swait.ge [sflag:s24], $0x4000;
	v1 =	vor.u32 v3, v1;
	v3 =	vsel vm12, $0x1, v0;
	v2 =	vsel vm12, v5, v2  }
0x157: {  	[sflag:s24] =	ssyncset.done $0x0;
	v5 =	vadd.s32 v3, v4;
	v6 =	vshll.u32 v2, $0x3;
	v3 =	vadd.s32 $0x10, v2  }
0x158: {  	[sflag:s24] =	ssyncadd.s32 $0xFFFFC000;
	v7 =	vadd.s32 $0xFFFFFF48, v2;
	v4 =	vshll.u32 v5, $0x8;
	vm13 =	vgt.s32 v3, $0xC7  }
0x159: {  	_ =	swait.ge [sflag:s29], $0x4000;
	v8 =	vand.u32 $0xFFFFF800, v4;
	v4 =	vsel vm13, $0x1, v0;
	v9 =	vsel vm13, v7, v3  }
0x15a: {  	v6 =	vand.u32 $0xFFFFFC00, v6;
	[sflag:s29] =	ssyncset.done $0x0;
	v7 =	vadd.s32 v4, v5;
	v10 =	vshll.u32 v9, $0x3  }
0x15b: {  	v3 =	vadd.s32 $0x10, v9;
	[sflag:s29] =	ssyncadd.s32 $0xFFFFC000;
	v11 =	vadd.s32 $0xFFFFFF48, v9;
	v5 =	vshll.u32 v5, $0x7  }
0x15c: {  	v6 =	vadd.s32 v6, v8;
	v4 =	vshll.u32 v7, $0x8;
	vm14 =	vgt.s32 v3, $0xC7;
	v57 =	vld.idx.msk [tilespmem:v1+s22+$0x0], $0xffff  }
0x15d: {  	v10 =	vand.u32 $0xFFFFFC00, v10;
	v5 =	vand.u32 $0x380, v5;
	v58 =	vand.u32 $0xFFFFF800, v4  }
0x15e: {  	v4 =	vsel vm14, $0x1, v0;
	v11 =	vsel vm14, v11, v3;
	v5 =	vor.u32 v5, v6  }
0x15f: {  	v6 =	vand.u32 $0x7F, v2;
	v2 =	vand.u32 $0x7F, v9;
	v59 =	vadd.s32 v4, v7  }
0x160: {  	v3 =	vshll.u32 v11, $0x3;
	v4 =	vadd.s32 $0x10, v11;
	v61 =	vadd.s32 $0xFFFFFF48, v11  }
0x161: {  	v7 =	vshll.u32 v7, $0x7;
	v10 =	vadd.s32 v10, v58;
	v11 =	vand.u32 $0x7F, v11  }
0x162: {  	v60 =	vshll.u32 v59, $0x8;
	vm15 =	vgt.s32 v4, $0xC7;
	v18 =	vand.u32 $0xFFFFFC00, v3  }
0x163: {  	v14 =	vshll.u32 v59, $0x7;
	v7 =	vand.u32 $0x380, v7;
	v17 =	vsel vm15, $0x1, v0  }
0x164: {  	v15 =	vand.u32 $0xFFFFF800, v60;
	v4 =	vsel vm15, v61, v4;
	v3 =	vadd.s32 v17, v59;
	v12 =	vld.idx.msk [tilespmem:v57+s3+$0x0], $0xffff  }
0x165: {  	v14 =	vand.u32 $0x380, v14;
	v16 =	vshll.u32 v4, $0x3;
	v17 =	vshll.u32 v3, $0x8  }
0x166: {  	v16 =	vand.u32 $0xFFFFFC00, v16;
	v19 =	vshll.u32 v3, $0x7;
	v17 =	vand.u32 $0xFFFFF800, v17  }
0x167: {  	v62 =	vadd.s32 v18, v15;
	v63 =	vand.u32 $0x380, v19;
	v8 =	vadd.s32 v17, v16  }
0x168: {  	v10 =	vor.u32 v7, v10;
	v13 =	vor.u32 v14, v62;
	v7 =	vor.u32 v63, v8  }
0x169: {  	s0 =	simm.s32 $0x4;
	v8 =	vand.u32 $0x7F, v4;
	[tilespmem:v1+s25+$0x0] =	vst.idx.msk $0xffff, v12;
	v1 =	vor.u32 v2, v10;
	v2 =	vor.u32 v11, v13  }
.LBB2_10:
0x16a: {  	s0 =	sadd.s32 $0x4, s0;
	v9 =	vor.u32 v8, v7;
	v7 =	vadd.s32 $0x10, v4;
	v8 =	vor.u32 v6, v5  }
0x16b: {  	v4 =	vadd.s32 $0xFFFFFF48, v4;
	p0 =	slt.u32 s0, $0x31C;
	vm0 =	vgt.s32 v7, $0xC7  }
0x16c: {  	v5 =	vsel vm0, $0x1, v0;
	v6 =	vsel vm0, v4, v7  }
0x16d: {  	v5 =	vadd.s32 v5, v3;
	v7 =	vshll.u32 v6, $0x3;
	v3 =	vadd.s32 $0x10, v6  }
0x16e: {  	v10 =	vadd.s32 $0xFFFFFF48, v6;
	v4 =	vshll.u32 v5, $0x8;
	vm0 =	vgt.s32 v3, $0xC7;
	v11 =	vld.idx.msk [tilespmem:v2+s22+$0x0], $0xffff  }
0x16f: {  	v12 =	vand.u32 $0xFFFFF800, v4;
	v4 =	vsel vm0, $0x1, v0;
	v10 =	vsel vm0, v10, v3;
	v13 =	vld.idx.msk [tilespmem:v1+s22+$0x0], $0xffff  }
0x170: {  	v14 =	vadd.s32 v4, v5;
	v15 =	vshll.u32 v10, $0x3;
	v3 =	vadd.s32 $0x10, v10;
	v16 =	vld.idx.msk [tilespmem:v8+s22+$0x0], $0xffff  }
0x171: {  	v18 =	vadd.s32 $0xFFFFFF48, v10;
	v17 =	vld.idx.msk [tilespmem:v9+s22+$0x0], $0xffff;
	v4 =	vshll.u32 v14, $0x8;
	vm0 =	vgt.s32 v3, $0xC7  }
0x172: {  	v19 =	vand.u32 $0xFFFFF800, v4;
	v4 =	vsel vm0, $0x1, v0;
	v18 =	vsel vm0, v18, v3  }
0x173: {  	v20 =	vadd.s32 v4, v14;
	v3 =	vshll.u32 v18, $0x3;
	v4 =	vadd.s32 $0x10, v18  }
0x174: {  	v22 =	vadd.s32 $0xFFFFFF48, v18;
	v21 =	vshll.u32 v20, $0x8;
	vm0 =	vgt.s32 v4, $0xC7  }
0x175: {  	v21 =	vand.u32 $0xFFFFF800, v21;
	v23 =	vsel vm0, $0x1, v0;
	v4 =	vsel vm0, v22, v4  }
0x176: {  	v24 =	vand.u32 $0xFFFFFC00, v3;
	v22 =	vshll.u32 v4, $0x3;
	v3 =	vadd.s32 v23, v20;
	v11 =	vld.idx.msk [tilespmem:v11+s3+$0x0], $0xffff  }
0x177: {  	v15 =	vand.u32 $0xFFFFFC00, v15;
	v20 =	vshll.u32 v20, $0x7;
	v23 =	vshll.u32 v3, $0x8;
	v13 =	vld.idx.msk [tilespmem:v13+s3+$0x0], $0xffff  }
0x178: {  	v7 =	vand.u32 $0xFFFFFC00, v7;
	v5 =	vshll.u32 v5, $0x7;
	v14 =	vshll.u32 v14, $0x7;
	v16 =	vld.idx.msk [tilespmem:v16+s3+$0x0], $0xffff  }
0x179: {  	v22 =	vand.u32 $0xFFFFFC00, v22;
	v25 =	vshll.u32 v3, $0x7;
	v23 =	vand.u32 $0xFFFFF800, v23;
	v17 =	vld.idx.msk [tilespmem:v17+s3+$0x0], $0xffff  }
0x17a: {  	v15 =	vadd.s32 v15, v19;
	v19 =	vadd.s32 v24, v21;
	v20 =	vand.u32 $0x380, v20  }
.Ltmp4:
0x17b: {  	v7 =	vadd.s32 v7, v12;
	v5 =	vand.u32 $0x380, v5;
	v12 =	vand.u32 $0x380, v14;
	(pc) =	sbr.rel @p0 .LBB2_10-.Ltmp4, $4  }
0x17c: {  	v21 =	vand.u32 $0x380, v25;
	v19 =	vor.u32 v20, v19;
	v14 =	vadd.s32 v23, v22;
	[tilespmem:v2+s25+$0x0] =	vst.idx.msk $0xffff, v11  }
0x17d: {  	v5 =	vor.u32 v5, v7;
	v2 =	vor.u32 v12, v15;
	v11 =	vand.u32 $0x7F, v18;
	[tilespmem:v1+s25+$0x0] =	vst.idx.msk $0xffff, v13  }
0x17e: {  	v6 =	vand.u32 $0x7F, v6;
	v7 =	vor.u32 v21, v14;
	v1 =	vand.u32 $0x7F, v10;
	[tilespmem:v8+s25+$0x0] =	vst.idx.msk $0xffff, v16  }
0x17f: {  	v8 =	vand.u32 $0x7F, v4;
	v1 =	vor.u32 v1, v2;
	v2 =	vor.u32 v11, v19;
	[tilespmem:v9+s25+$0x0] =	vst.idx.msk $0xffff, v17  }
0x180: {  	v9 =	vadd.s32 $0x10, v4  }
0x181: {  	v4 =	vadd.s32 $0xFFFFFF48, v4;
	vm0 =	vgt.s32 v9, $0xC7  }
0x182: {  	v7 =	vor.u32 v8, v7;
	v5 =	vor.u32 v6, v5;
	v4 =	vsel vm0, v4, v9  }
0x183: {  	v8 =	vsel vm0, $0x1, v0;
	v6 =	vadd.s32 $0x10, v4;
	v9 =	vadd.s32 $0xFFFFFF48, v4  }
0x184: {  	v3 =	vadd.s32 v8, v3;
	v8 =	vshll.u32 v4, $0x3;
	vm10 =	vgt.s32 v6, $0xC7  }
0x185: {  	v4 =	vand.u32 $0x7F, v4;
	v8 =	vand.u32 $0xFFFFFC00, v8;
	v6 =	vsel vm10, v9, v6  }
0x186: {  	v9 =	vshll.u32 v3, $0x8;
	v10 =	vsel vm10, $0x1, v0;
	v11 =	vadd.s32 $0x10, v6  }
0x187: {  	v9 =	vand.u32 $0xFFFFF800, v9;
	v10 =	vadd.s32 v10, v3;
	v12 =	vshll.u32 v6, $0x3  }
0x188: {  	v13 =	vadd.s32 $0xFFFFFF48, v6;
	v3 =	vshll.u32 v3, $0x7;
	v6 =	vand.u32 $0x7F, v6  }
0x189: {  	vm11 =	vgt.s32 v11, $0xC7;
	v15 =	vshll.u32 v10, $0x8;
	v12 =	vand.u32 $0xFFFFFC00, v12  }
0x18a: {  	v8 =	vadd.s32 v8, v9;
	v3 =	vand.u32 $0x380, v3;
	v14 =	vsel vm11, $0x1, v0  }
0x18b: {  	v11 =	vsel vm11, v13, v11;
	v51 =	vand.u32 $0xFFFFF800, v15;
	v3 =	vor.u32 v3, v8  }
0x18c: {  	v50 =	vadd.s32 v14, v10;
	v52 =	vshll.u32 v11, $0x3;
	v10 =	vshll.u32 v10, $0x7  }
0x18d: {  	v12 =	vadd.s32 v12, v51;
	v11 =	vand.u32 $0x7F, v11;
	v16 =	vshll.u32 v50, $0x8  }
0x18e: {  	v15 =	vand.u32 $0xFFFFFC00, v52;
	v13 =	vshll.u32 v50, $0x7;
	v16 =	vand.u32 $0xFFFFF800, v16  }
0x18f: {  	v9 =	vand.u32 $0x380, v10;
	v13 =	vand.u32 $0x380, v13;
	v53 =	vadd.s32 v15, v16  }
0x190: {  	v8 =	vld.idx.msk [tilespmem:v1+s22+$0x0], $0xffff;
	v3 =	vor.u32 v4, v3;
	v9 =	vor.u32 v9, v12;
	v10 =	vor.u32 v13, v53  }
0x191: {  	v6 =	vor.u32 v6, v9;
	v10 =	vor.u32 v11, v10;
	v11 =	vld.idx.msk [tilespmem:v2+s22+$0x0], $0xffff;
	_ =	sdelay $0x1  }
0x192: {  	v4 =	vld.idx.msk [tilespmem:v5+s22+$0x0], $0xffff  }
0x193: {  	v9 =	vld.idx.msk [tilespmem:v7+s22+$0x0], $0xffff  }
0x194: {  	v56 =	vld.idx.msk [tilespmem:v3+s22+$0x0], $0xffff  }
0x195: {  	v55 =	vld.idx.msk [tilespmem:v6+s22+$0x0], $0xffff  }
0x196: {  	v54 =	vld.idx.msk [tilespmem:v10+s22+$0x0], $0xffff  }
0x197: {  	v8 =	vld.idx.msk [tilespmem:v8+s3+$0x0], $0xffff  }
0x198: {  	v11 =	vld.idx.msk [tilespmem:v11+s3+$0x0], $0xffff;
	_ =	sdelay $0x1  }
0x199: {  	v4 =	vld.idx.msk [tilespmem:v4+s3+$0x0], $0xffff  }
0x19a: {  	v9 =	vld.idx.msk [tilespmem:v9+s3+$0x0], $0xffff  }
0x19b: {  	[tilespmem:v1+s25+$0x0] =	vst.idx.msk $0xffff, v8;
	v1 =	vld.idx.msk [tilespmem:v56+s3+$0x0], $0xffff  }
0x19c: {  	[tilespmem:v2+s25+$0x0] =	vst.idx.msk $0xffff, v11;
	v2 =	vld.idx.msk [tilespmem:v55+s3+$0x0], $0xffff  }
0x19d: {  	v12 =	vld.idx.msk [tilespmem:v54+s3+$0x0], $0xffff  }
0x19e: {  	[tilespmem:v5+s25+$0x0] =	vst.idx.msk $0xffff, v4  }
0x19f: {  	[tilespmem:v7+s25+$0x0] =	vst.idx.msk $0xffff, v9  }
0x1a0: {  	v4 =	vimm.s32 $0x0;
	v5 =	vlaneseq.u32;
	[tilespmem:v3+s25+$0x0] =	vst.idx.msk $0xffff, v1  }
0x1a1: {  	[tilespmem:v6+s25+$0x0] =	vst.idx.msk $0xffff, v2;
	v2 =	vshll.u32 v5, $0x3;
	v6 =	vshll.u32 v4, $0x8  }
0x1a2: {  	v3 =	vshll.u32 v4, $0x7;
	[tilespmem:v10+s25+$0x0] =	vst.idx.msk $0xffff, v12;
	v1 =	vand.u32 $0xFFFFF800, v6;
	v2 =	vand.u32 $0xFFFFFC00, v2  }
0x1a3: {  	[hbm4b:s14+s3] =	stream.linear.scatter [tilespmem:s25], [sflag:$0x3], $0x4000, $0x38;
	v1 =	vadd.s32 v1, v2;
	v2 =	vand.u32 $0x380, v3;
	[tilespmem:$0x10080] =	vst v63  }
0x1a4: {  	v1 =	vor.u32 v2, v1;
	v2 =	vadd.s32 $0x10, v5  }
0x1a5: {  	v3 =	vand.u32 $0x7F, v5;
	[tilespmem:s22], [sflag:$0x1] =	stream.linear.gather [hbm4b:s15+s3], $0x4000, $0x38;
	v5 =	vadd.s32 $0xFFFFFF48, v5;
	vm12 =	vgt.s32 v2, $0xC7;
	[tilespmem:$0x10080] =	vst v63  }
0x1a6: {  	_ =	swait.ge [sflag:s26], $0x4000;
	v1 =	vor.u32 v3, v1;
	v3 =	vsel vm12, $0x1, v0;
	v2 =	vsel vm12, v5, v2  }
0x1a7: {  	[sflag:s26] =	ssyncset.done $0x0;
	v5 =	vadd.s32 v3, v4;
	v6 =	vshll.u32 v2, $0x3;
	v3 =	vadd.s32 $0x10, v2  }
0x1a8: {  	[sflag:s26] =	ssyncadd.s32 $0xFFFFC000;
	v7 =	vadd.s32 $0xFFFFFF48, v2;
	v4 =	vshll.u32 v5, $0x8;
	vm13 =	vgt.s32 v3, $0xC7  }
0x1a9: {  	_ =	swait.ge [sflag:s30], $0x4000;
	v8 =	vand.u32 $0xFFFFF800, v4;
	v4 =	vsel vm13, $0x1, v0;
	v9 =	vsel vm13, v7, v3  }
0x1aa: {  	v6 =	vand.u32 $0xFFFFFC00, v6;
	[sflag:s30] =	ssyncset.done $0x0;
	v7 =	vadd.s32 v4, v5;
	v10 =	vshll.u32 v9, $0x3  }
0x1ab: {  	v3 =	vadd.s32 $0x10, v9;
	[sflag:s30] =	ssyncadd.s32 $0xFFFFC000;
	v11 =	vadd.s32 $0xFFFFFF48, v9;
	v5 =	vshll.u32 v5, $0x7  }
0x1ac: {  	v6 =	vadd.s32 v6, v8;
	v4 =	vshll.u32 v7, $0x8;
	vm14 =	vgt.s32 v3, $0xC7;
	v57 =	vld.idx.msk [tilespmem:v1+s23+$0x0], $0xffff  }
0x1ad: {  	v10 =	vand.u32 $0xFFFFFC00, v10;
	v5 =	vand.u32 $0x380, v5;
	v58 =	vand.u32 $0xFFFFF800, v4  }
0x1ae: {  	v4 =	vsel vm14, $0x1, v0;
	v11 =	vsel vm14, v11, v3;
	v5 =	vor.u32 v5, v6  }
0x1af: {  	v6 =	vand.u32 $0x7F, v2;
	v2 =	vand.u32 $0x7F, v9;
	v59 =	vadd.s32 v4, v7  }
0x1b0: {  	v3 =	vshll.u32 v11, $0x3;
	v4 =	vadd.s32 $0x10, v11;
	v61 =	vadd.s32 $0xFFFFFF48, v11  }
0x1b1: {  	v7 =	vshll.u32 v7, $0x7;
	v10 =	vadd.s32 v10, v58;
	v11 =	vand.u32 $0x7F, v11  }
0x1b2: {  	v60 =	vshll.u32 v59, $0x8;
	vm15 =	vgt.s32 v4, $0xC7;
	v18 =	vand.u32 $0xFFFFFC00, v3  }
0x1b3: {  	v14 =	vshll.u32 v59, $0x7;
	v7 =	vand.u32 $0x380, v7;
	v17 =	vsel vm15, $0x1, v0  }
0x1b4: {  	v15 =	vand.u32 $0xFFFFF800, v60;
	v4 =	vsel vm15, v61, v4;
	v3 =	vadd.s32 v17, v59;
	v12 =	vld.idx.msk [tilespmem:v57+s3+$0x0], $0xffff  }
0x1b5: {  	v14 =	vand.u32 $0x380, v14;
	v16 =	vshll.u32 v4, $0x3;
	v17 =	vshll.u32 v3, $0x8  }
0x1b6: {  	v16 =	vand.u32 $0xFFFFFC00, v16;
	v19 =	vshll.u32 v3, $0x7;
	v17 =	vand.u32 $0xFFFFF800, v17  }
0x1b7: {  	v62 =	vadd.s32 v18, v15;
	v63 =	vand.u32 $0x380, v19;
	v8 =	vadd.s32 v17, v16  }
0x1b8: {  	v10 =	vor.u32 v7, v10;
	v13 =	vor.u32 v14, v62;
	v7 =	vor.u32 v63, v8  }
0x1b9: {  	s0 =	simm.s32 $0x4;
	v8 =	vand.u32 $0x7F, v4;
	[tilespmem:v1+s28+$0x0] =	vst.idx.msk $0xffff, v12;
	v1 =	vor.u32 v2, v10;
	v2 =	vor.u32 v11, v13  }
.LBB2_12:
0x1ba: {  	s0 =	sadd.s32 $0x4, s0;
	v9 =	vor.u32 v8, v7;
	v7 =	vadd.s32 $0x10, v4;
	v8 =	vor.u32 v6, v5  }
0x1bb: {  	v4 =	vadd.s32 $0xFFFFFF48, v4;
	p0 =	slt.u32 s0, $0x31C;
	vm0 =	vgt.s32 v7, $0xC7  }
0x1bc: {  	v5 =	vsel vm0, $0x1, v0;
	v6 =	vsel vm0, v4, v7  }
0x1bd: {  	v5 =	vadd.s32 v5, v3;
	v7 =	vshll.u32 v6, $0x3;
	v3 =	vadd.s32 $0x10, v6  }
0x1be: {  	v10 =	vadd.s32 $0xFFFFFF48, v6;
	v4 =	vshll.u32 v5, $0x8;
	vm0 =	vgt.s32 v3, $0xC7;
	v11 =	vld.idx.msk [tilespmem:v2+s23+$0x0], $0xffff  }
0x1bf: {  	v12 =	vand.u32 $0xFFFFF800, v4;
	v4 =	vsel vm0, $0x1, v0;
	v10 =	vsel vm0, v10, v3;
	v13 =	vld.idx.msk [tilespmem:v1+s23+$0x0], $0xffff  }
0x1c0: {  	v14 =	vadd.s32 v4, v5;
	v15 =	vshll.u32 v10, $0x3;
	v3 =	vadd.s32 $0x10, v10;
	v16 =	vld.idx.msk [tilespmem:v8+s23+$0x0], $0xffff  }
0x1c1: {  	v18 =	vadd.s32 $0xFFFFFF48, v10;
	v17 =	vld.idx.msk [tilespmem:v9+s23+$0x0], $0xffff;
	v4 =	vshll.u32 v14, $0x8;
	vm0 =	vgt.s32 v3, $0xC7  }
0x1c2: {  	v19 =	vand.u32 $0xFFFFF800, v4;
	v4 =	vsel vm0, $0x1, v0;
	v18 =	vsel vm0, v18, v3  }
0x1c3: {  	v20 =	vadd.s32 v4, v14;
	v3 =	vshll.u32 v18, $0x3;
	v4 =	vadd.s32 $0x10, v18  }
0x1c4: {  	v22 =	vadd.s32 $0xFFFFFF48, v18;
	v21 =	vshll.u32 v20, $0x8;
	vm0 =	vgt.s32 v4, $0xC7  }
0x1c5: {  	v21 =	vand.u32 $0xFFFFF800, v21;
	v23 =	vsel vm0, $0x1, v0;
	v4 =	vsel vm0, v22, v4  }
0x1c6: {  	v24 =	vand.u32 $0xFFFFFC00, v3;
	v22 =	vshll.u32 v4, $0x3;
	v3 =	vadd.s32 v23, v20;
	v11 =	vld.idx.msk [tilespmem:v11+s3+$0x0], $0xffff  }
0x1c7: {  	v15 =	vand.u32 $0xFFFFFC00, v15;
	v20 =	vshll.u32 v20, $0x7;
	v23 =	vshll.u32 v3, $0x8;
	v13 =	vld.idx.msk [tilespmem:v13+s3+$0x0], $0xffff  }
0x1c8: {  	v7 =	vand.u32 $0xFFFFFC00, v7;
	v5 =	vshll.u32 v5, $0x7;
	v14 =	vshll.u32 v14, $0x7;
	v16 =	vld.idx.msk [tilespmem:v16+s3+$0x0], $0xffff  }
0x1c9: {  	v22 =	vand.u32 $0xFFFFFC00, v22;
	v25 =	vshll.u32 v3, $0x7;
	v23 =	vand.u32 $0xFFFFF800, v23;
	v17 =	vld.idx.msk [tilespmem:v17+s3+$0x0], $0xffff  }
0x1ca: {  	v15 =	vadd.s32 v15, v19;
	v19 =	vadd.s32 v24, v21;
	v20 =	vand.u32 $0x380, v20  }
.Ltmp5:
0x1cb: {  	v7 =	vadd.s32 v7, v12;
	v5 =	vand.u32 $0x380, v5;
	v12 =	vand.u32 $0x380, v14;
	(pc) =	sbr.rel @p0 .LBB2_12-.Ltmp5, $4  }
0x1cc: {  	v21 =	vand.u32 $0x380, v25;
	v19 =	vor.u32 v20, v19;
	v14 =	vadd.s32 v23, v22;
	[tilespmem:v2+s28+$0x0] =	vst.idx.msk $0xffff, v11  }
0x1cd: {  	v5 =	vor.u32 v5, v7;
	v2 =	vor.u32 v12, v15;
	v11 =	vand.u32 $0x7F, v18;
	[tilespmem:v1+s28+$0x0] =	vst.idx.msk $0xffff, v13  }
0x1ce: {  	v6 =	vand.u32 $0x7F, v6;
	v7 =	vor.u32 v21, v14;
	v1 =	vand.u32 $0x7F, v10;
	[tilespmem:v8+s28+$0x0] =	vst.idx.msk $0xffff, v16  }
0x1cf: {  	v8 =	vand.u32 $0x7F, v4;
	v1 =	vor.u32 v1, v2;
	v2 =	vor.u32 v11, v19;
	[tilespmem:v9+s28+$0x0] =	vst.idx.msk $0xffff, v17  }
0x1d0: {  	v9 =	vadd.s32 $0x10, v4  }
0x1d1: {  	v4 =	vadd.s32 $0xFFFFFF48, v4;
	vm0 =	vgt.s32 v9, $0xC7  }
0x1d2: {  	v7 =	vor.u32 v8, v7;
	v5 =	vor.u32 v6, v5;
	v4 =	vsel vm0, v4, v9  }
0x1d3: {  	v8 =	vsel vm0, $0x1, v0;
	v6 =	vadd.s32 $0x10, v4;
	v9 =	vadd.s32 $0xFFFFFF48, v4  }
0x1d4: {  	v3 =	vadd.s32 v8, v3;
	v8 =	vshll.u32 v4, $0x3;
	vm10 =	vgt.s32 v6, $0xC7  }
0x1d5: {  	v4 =	vand.u32 $0x7F, v4;
	v8 =	vand.u32 $0xFFFFFC00, v8;
	v6 =	vsel vm10, v9, v6  }
0x1d6: {  	v9 =	vshll.u32 v3, $0x8;
	v10 =	vsel vm10, $0x1, v0;
	v11 =	vadd.s32 $0x10, v6  }
0x1d7: {  	v9 =	vand.u32 $0xFFFFF800, v9;
	v10 =	vadd.s32 v10, v3;
	v12 =	vshll.u32 v6, $0x3  }
0x1d8: {  	v13 =	vadd.s32 $0xFFFFFF48, v6;
	v3 =	vshll.u32 v3, $0x7;
	v6 =	vand.u32 $0x7F, v6  }
0x1d9: {  	vm11 =	vgt.s32 v11, $0xC7;
	v15 =	vshll.u32 v10, $0x8;
	v12 =	vand.u32 $0xFFFFFC00, v12  }
0x1da: {  	v8 =	vadd.s32 v8, v9;
	v3 =	vand.u32 $0x380, v3;
	v14 =	vsel vm11, $0x1, v0  }
0x1db: {  	v11 =	vsel vm11, v13, v11;
	v51 =	vand.u32 $0xFFFFF800, v15;
	v3 =	vor.u32 v3, v8  }
0x1dc: {  	v50 =	vadd.s32 v14, v10;
	v52 =	vshll.u32 v11, $0x3;
	v10 =	vshll.u32 v10, $0x7  }
0x1dd: {  	v12 =	vadd.s32 v12, v51;
	v11 =	vand.u32 $0x7F, v11;
	v16 =	vshll.u32 v50, $0x8  }
0x1de: {  	v15 =	vand.u32 $0xFFFFFC00, v52;
	v13 =	vshll.u32 v50, $0x7;
	v16 =	vand.u32 $0xFFFFF800, v16  }
0x1df: {  	v9 =	vand.u32 $0x380, v10;
	v13 =	vand.u32 $0x380, v13;
	v53 =	vadd.s32 v15, v16  }
0x1e0: {  	v8 =	vld.idx.msk [tilespmem:v1+s23+$0x0], $0xffff;
	v3 =	vor.u32 v4, v3;
	v9 =	vor.u32 v9, v12;
	v10 =	vor.u32 v13, v53  }
0x1e1: {  	v6 =	vor.u32 v6, v9;
	v10 =	vor.u32 v11, v10;
	v11 =	vld.idx.msk [tilespmem:v2+s23+$0x0], $0xffff;
	_ =	sdelay $0x1  }
0x1e2: {  	v4 =	vld.idx.msk [tilespmem:v5+s23+$0x0], $0xffff  }
0x1e3: {  	v9 =	vld.idx.msk [tilespmem:v7+s23+$0x0], $0xffff  }
0x1e4: {  	v56 =	vld.idx.msk [tilespmem:v3+s23+$0x0], $0xffff  }
0x1e5: {  	v55 =	vld.idx.msk [tilespmem:v6+s23+$0x0], $0xffff  }
0x1e6: {  	v54 =	vld.idx.msk [tilespmem:v10+s23+$0x0], $0xffff  }
0x1e7: {  	v8 =	vld.idx.msk [tilespmem:v8+s3+$0x0], $0xffff  }
0x1e8: {  	v11 =	vld.idx.msk [tilespmem:v11+s3+$0x0], $0xffff;
	_ =	sdelay $0x1  }
0x1e9: {  	v4 =	vld.idx.msk [tilespmem:v4+s3+$0x0], $0xffff  }
0x1ea: {  	v9 =	vld.idx.msk [tilespmem:v9+s3+$0x0], $0xffff  }
0x1eb: {  	[tilespmem:v1+s28+$0x0] =	vst.idx.msk $0xffff, v8;
	v1 =	vld.idx.msk [tilespmem:v56+s3+$0x0], $0xffff  }
0x1ec: {  	[tilespmem:v2+s28+$0x0] =	vst.idx.msk $0xffff, v11;
	v2 =	vld.idx.msk [tilespmem:v55+s3+$0x0], $0xffff  }
0x1ed: {  	v12 =	vld.idx.msk [tilespmem:v54+s3+$0x0], $0xffff  }
0x1ee: {  	[tilespmem:v5+s28+$0x0] =	vst.idx.msk $0xffff, v4  }
0x1ef: {  	[tilespmem:v7+s28+$0x0] =	vst.idx.msk $0xffff, v9  }
0x1f0: {  	v4 =	vimm.s32 $0x0;
	v5 =	vlaneseq.u32;
	[tilespmem:v3+s28+$0x0] =	vst.idx.msk $0xffff, v1  }
0x1f1: {  	[tilespmem:v6+s28+$0x0] =	vst.idx.msk $0xffff, v2;
	v2 =	vshll.u32 v5, $0x3;
	v6 =	vshll.u32 v4, $0x8  }
0x1f2: {  	v3 =	vshll.u32 v4, $0x7;
	[tilespmem:v10+s28+$0x0] =	vst.idx.msk $0xffff, v12;
	v1 =	vand.u32 $0xFFFFF800, v6;
	v2 =	vand.u32 $0xFFFFFC00, v2  }
0x1f3: {  	[hbm4b:s16+s3] =	stream.linear.scatter [tilespmem:s28], [sflag:$0x4], $0x4000, $0x38;
	v1 =	vadd.s32 v1, v2;
	v2 =	vand.u32 $0x380, v3;
	[tilespmem:$0x10080] =	vst v63  }
0x1f4: {  	v1 =	vor.u32 v2, v1;
	v2 =	vadd.s32 $0x10, v5  }
0x1f5: {  	v3 =	vand.u32 $0x7F, v5;
	[tilespmem:s23], [sflag:$0x2] =	stream.linear.gather [hbm4b:s17+s3], $0x4000, $0x38;
	v5 =	vadd.s32 $0xFFFFFF48, v5;
	vm12 =	vgt.s32 v2, $0xC7;
	[tilespmem:$0x10080] =	vst v63  }
0x1f6: {  	_ =	swait.ge [sflag:s24], $0x4000;
	v1 =	vor.u32 v3, v1;
	v3 =	vsel vm12, $0x1, v0;
	v2 =	vsel vm12, v5, v2  }
0x1f7: {  	[sflag:s24] =	ssyncset.done $0x0;
	v5 =	vadd.s32 v3, v4;
	v6 =	vshll.u32 v2, $0x3;
	v3 =	vadd.s32 $0x10, v2  }
0x1f8: {  	[sflag:s24] =	ssyncadd.s32 $0xFFFFC000;
	v7 =	vadd.s32 $0xFFFFFF48, v2;
	v4 =	vshll.u32 v5, $0x8;
	vm13 =	vgt.s32 v3, $0xC7  }
0x1f9: {  	_ =	swait.ge [sflag:s29], $0x4000;
	v8 =	vand.u32 $0xFFFFF800, v4;
	v4 =	vsel vm13, $0x1, v0;
	v9 =	vsel vm13, v7, v3  }
0x1fa: {  	v6 =	vand.u32 $0xFFFFFC00, v6;
	[sflag:s29] =	ssyncset.done $0x0;
	v7 =	vadd.s32 v4, v5;
	v10 =	vshll.u32 v9, $0x3  }
0x1fb: {  	v3 =	vadd.s32 $0x10, v9;
	[sflag:s29] =	ssyncadd.s32 $0xFFFFC000;
	v11 =	vadd.s32 $0xFFFFFF48, v9;
	v5 =	vshll.u32 v5, $0x7  }
0x1fc: {  	v6 =	vadd.s32 v6, v8;
	v4 =	vshll.u32 v7, $0x8;
	vm14 =	vgt.s32 v3, $0xC7;
	v57 =	vld.idx.msk [tilespmem:v1+s22+$0x0], $0xffff  }
0x1fd: {  	v10 =	vand.u32 $0xFFFFFC00, v10;
	v5 =	vand.u32 $0x380, v5;
	v58 =	vand.u32 $0xFFFFF800, v4  }
0x1fe: {  	v4 =	vsel vm14, $0x1, v0;
	v11 =	vsel vm14, v11, v3;
	v5 =	vor.u32 v5, v6  }
0x1ff: {  	v6 =	vand.u32 $0x7F, v2;
	v2 =	vand.u32 $0x7F, v9;
	v59 =	vadd.s32 v4, v7  }
0x200: {  	v3 =	vshll.u32 v11, $0x3;
	v4 =	vadd.s32 $0x10, v11;
	v61 =	vadd.s32 $0xFFFFFF48, v11  }
0x201: {  	v7 =	vshll.u32 v7, $0x7;
	v10 =	vadd.s32 v10, v58;
	v11 =	vand.u32 $0x7F, v11  }
0x202: {  	v60 =	vshll.u32 v59, $0x8;
	vm15 =	vgt.s32 v4, $0xC7;
	v18 =	vand.u32 $0xFFFFFC00, v3  }
0x203: {  	v14 =	vshll.u32 v59, $0x7;
	v7 =	vand.u32 $0x380, v7;
	v17 =	vsel vm15, $0x1, v0  }
0x204: {  	v15 =	vand.u32 $0xFFFFF800, v60;
	v4 =	vsel vm15, v61, v4;
	v3 =	vadd.s32 v17, v59;
	v12 =	vld.idx.msk [tilespmem:v57+s3+$0x0], $0xffff  }
0x205: {  	v14 =	vand.u32 $0x380, v14;
	v16 =	vshll.u32 v4, $0x3;
	v17 =	vshll.u32 v3, $0x8  }
0x206: {  	v16 =	vand.u32 $0xFFFFFC00, v16;
	v19 =	vshll.u32 v3, $0x7;
	v17 =	vand.u32 $0xFFFFF800, v17  }
0x207: {  	v62 =	vadd.s32 v18, v15;
	v63 =	vand.u32 $0x380, v19;
	v8 =	vadd.s32 v17, v16  }
0x208: {  	v10 =	vor.u32 v7, v10;
	v13 =	vor.u32 v14, v62;
	v7 =	vor.u32 v63, v8  }
0x209: {  	s0 =	simm.s32 $0x4;
	v8 =	vand.u32 $0x7F, v4;
	[tilespmem:v1+s25+$0x0] =	vst.idx.msk $0xffff, v12;
	v1 =	vor.u32 v2, v10;
	v2 =	vor.u32 v11, v13  }
.LBB2_14:
0x20a: {  	s0 =	sadd.s32 $0x4, s0;
	v9 =	vor.u32 v8, v7;
	v7 =	vadd.s32 $0x10, v4;
	v8 =	vor.u32 v6, v5  }
0x20b: {  	v4 =	vadd.s32 $0xFFFFFF48, v4;
	p0 =	slt.u32 s0, $0x31C;
	vm0 =	vgt.s32 v7, $0xC7  }
0x20c: {  	v5 =	vsel vm0, $0x1, v0;
	v6 =	vsel vm0, v4, v7  }
0x20d: {  	v5 =	vadd.s32 v5, v3;
	v7 =	vshll.u32 v6, $0x3;
	v3 =	vadd.s32 $0x10, v6  }
0x20e: {  	v10 =	vadd.s32 $0xFFFFFF48, v6;
	v4 =	vshll.u32 v5, $0x8;
	vm0 =	vgt.s32 v3, $0xC7;
	v11 =	vld.idx.msk [tilespmem:v2+s22+$0x0], $0xffff  }
0x20f: {  	v12 =	vand.u32 $0xFFFFF800, v4;
	v4 =	vsel vm0, $0x1, v0;
	v10 =	vsel vm0, v10, v3;
	v13 =	vld.idx.msk [tilespmem:v1+s22+$0x0], $0xffff  }
0x210: {  	v14 =	vadd.s32 v4, v5;
	v15 =	vshll.u32 v10, $0x3;
	v3 =	vadd.s32 $0x10, v10;
	v16 =	vld.idx.msk [tilespmem:v8+s22+$0x0], $0xffff  }
0x211: {  	v18 =	vadd.s32 $0xFFFFFF48, v10;
	v17 =	vld.idx.msk [tilespmem:v9+s22+$0x0], $0xffff;
	v4 =	vshll.u32 v14, $0x8;
	vm0 =	vgt.s32 v3, $0xC7  }
0x212: {  	v19 =	vand.u32 $0xFFFFF800, v4;
	v4 =	vsel vm0, $0x1, v0;
	v18 =	vsel vm0, v18, v3  }
0x213: {  	v20 =	vadd.s32 v4, v14;
	v3 =	vshll.u32 v18, $0x3;
	v4 =	vadd.s32 $0x10, v18  }
0x214: {  	v22 =	vadd.s32 $0xFFFFFF48, v18;
	v21 =	vshll.u32 v20, $0x8;
	vm0 =	vgt.s32 v4, $0xC7  }
0x215: {  	v21 =	vand.u32 $0xFFFFF800, v21;
	v23 =	vsel vm0, $0x1, v0;
	v4 =	vsel vm0, v22, v4  }
0x216: {  	v24 =	vand.u32 $0xFFFFFC00, v3;
	v22 =	vshll.u32 v4, $0x3;
	v3 =	vadd.s32 v23, v20;
	v11 =	vld.idx.msk [tilespmem:v11+s3+$0x0], $0xffff  }
0x217: {  	v15 =	vand.u32 $0xFFFFFC00, v15;
	v20 =	vshll.u32 v20, $0x7;
	v23 =	vshll.u32 v3, $0x8;
	v13 =	vld.idx.msk [tilespmem:v13+s3+$0x0], $0xffff  }
0x218: {  	v7 =	vand.u32 $0xFFFFFC00, v7;
	v5 =	vshll.u32 v5, $0x7;
	v14 =	vshll.u32 v14, $0x7;
	v16 =	vld.idx.msk [tilespmem:v16+s3+$0x0], $0xffff  }
0x219: {  	v22 =	vand.u32 $0xFFFFFC00, v22;
	v25 =	vshll.u32 v3, $0x7;
	v23 =	vand.u32 $0xFFFFF800, v23;
	v17 =	vld.idx.msk [tilespmem:v17+s3+$0x0], $0xffff  }
0x21a: {  	v15 =	vadd.s32 v15, v19;
	v19 =	vadd.s32 v24, v21;
	v20 =	vand.u32 $0x380, v20  }
.Ltmp6:
0x21b: {  	v7 =	vadd.s32 v7, v12;
	v5 =	vand.u32 $0x380, v5;
	v12 =	vand.u32 $0x380, v14;
	(pc) =	sbr.rel @p0 .LBB2_14-.Ltmp6, $4  }
0x21c: {  	v21 =	vand.u32 $0x380, v25;
	v19 =	vor.u32 v20, v19;
	v14 =	vadd.s32 v23, v22;
	[tilespmem:v2+s25+$0x0] =	vst.idx.msk $0xffff, v11  }
0x21d: {  	v5 =	vor.u32 v5, v7;
	v2 =	vor.u32 v12, v15;
	v11 =	vand.u32 $0x7F, v18;
	[tilespmem:v1+s25+$0x0] =	vst.idx.msk $0xffff, v13  }
0x21e: {  	v6 =	vand.u32 $0x7F, v6;
	v7 =	vor.u32 v21, v14;
	v1 =	vand.u32 $0x7F, v10;
	[tilespmem:v8+s25+$0x0] =	vst.idx.msk $0xffff, v16  }
0x21f: {  	v8 =	vand.u32 $0x7F, v4;
	v1 =	vor.u32 v1, v2;
	v2 =	vor.u32 v11, v19;
	[tilespmem:v9+s25+$0x0] =	vst.idx.msk $0xffff, v17  }
0x220: {  	v9 =	vadd.s32 $0x10, v4  }
0x221: {  	v4 =	vadd.s32 $0xFFFFFF48, v4;
	vm0 =	vgt.s32 v9, $0xC7  }
0x222: {  	v7 =	vor.u32 v8, v7;
	v5 =	vor.u32 v6, v5;
	v4 =	vsel vm0, v4, v9  }
0x223: {  	v8 =	vsel vm0, $0x1, v0;
	v6 =	vadd.s32 $0x10, v4;
	v9 =	vadd.s32 $0xFFFFFF48, v4  }
0x224: {  	v3 =	vadd.s32 v8, v3;
	v8 =	vshll.u32 v4, $0x3;
	vm10 =	vgt.s32 v6, $0xC7  }
0x225: {  	v4 =	vand.u32 $0x7F, v4;
	v8 =	vand.u32 $0xFFFFFC00, v8;
	v6 =	vsel vm10, v9, v6  }
0x226: {  	v9 =	vshll.u32 v3, $0x8;
	v10 =	vsel vm10, $0x1, v0;
	v11 =	vadd.s32 $0x10, v6  }
0x227: {  	v9 =	vand.u32 $0xFFFFF800, v9;
	v10 =	vadd.s32 v10, v3;
	v12 =	vshll.u32 v6, $0x3  }
0x228: {  	v13 =	vadd.s32 $0xFFFFFF48, v6;
	v3 =	vshll.u32 v3, $0x7;
	v6 =	vand.u32 $0x7F, v6  }
0x229: {  	vm11 =	vgt.s32 v11, $0xC7;
	v15 =	vshll.u32 v10, $0x8;
	v12 =	vand.u32 $0xFFFFFC00, v12  }
0x22a: {  	v8 =	vadd.s32 v8, v9;
	v3 =	vand.u32 $0x380, v3;
	v14 =	vsel vm11, $0x1, v0  }
0x22b: {  	v11 =	vsel vm11, v13, v11;
	v51 =	vand.u32 $0xFFFFF800, v15;
	v3 =	vor.u32 v3, v8  }
0x22c: {  	v50 =	vadd.s32 v14, v10;
	v52 =	vshll.u32 v11, $0x3;
	v10 =	vshll.u32 v10, $0x7  }
0x22d: {  	v12 =	vadd.s32 v12, v51;
	v11 =	vand.u32 $0x7F, v11;
	v16 =	vshll.u32 v50, $0x8  }
0x22e: {  	v15 =	vand.u32 $0xFFFFFC00, v52;
	v13 =	vshll.u32 v50, $0x7;
	v16 =	vand.u32 $0xFFFFF800, v16  }
0x22f: {  	v9 =	vand.u32 $0x380, v10;
	v13 =	vand.u32 $0x380, v13;
	v53 =	vadd.s32 v15, v16  }
0x230: {  	v8 =	vld.idx.msk [tilespmem:v1+s22+$0x0], $0xffff;
	v3 =	vor.u32 v4, v3;
	v9 =	vor.u32 v9, v12;
	v10 =	vor.u32 v13, v53  }
0x231: {  	v6 =	vor.u32 v6, v9;
	v10 =	vor.u32 v11, v10;
	v11 =	vld.idx.msk [tilespmem:v2+s22+$0x0], $0xffff;
	_ =	sdelay $0x1  }
0x232: {  	v4 =	vld.idx.msk [tilespmem:v5+s22+$0x0], $0xffff  }
0x233: {  	v9 =	vld.idx.msk [tilespmem:v7+s22+$0x0], $0xffff  }
0x234: {  	v56 =	vld.idx.msk [tilespmem:v3+s22+$0x0], $0xffff  }
0x235: {  	v55 =	vld.idx.msk [tilespmem:v6+s22+$0x0], $0xffff  }
0x236: {  	v54 =	vld.idx.msk [tilespmem:v10+s22+$0x0], $0xffff  }
0x237: {  	v8 =	vld.idx.msk [tilespmem:v8+s3+$0x0], $0xffff  }
0x238: {  	v11 =	vld.idx.msk [tilespmem:v11+s3+$0x0], $0xffff;
	_ =	sdelay $0x1  }
0x239: {  	v4 =	vld.idx.msk [tilespmem:v4+s3+$0x0], $0xffff  }
0x23a: {  	v9 =	vld.idx.msk [tilespmem:v9+s3+$0x0], $0xffff  }
0x23b: {  	[tilespmem:v1+s25+$0x0] =	vst.idx.msk $0xffff, v8;
	v1 =	vld.idx.msk [tilespmem:v56+s3+$0x0], $0xffff  }
0x23c: {  	[tilespmem:v2+s25+$0x0] =	vst.idx.msk $0xffff, v11;
	v2 =	vld.idx.msk [tilespmem:v55+s3+$0x0], $0xffff  }
0x23d: {  	v12 =	vld.idx.msk [tilespmem:v54+s3+$0x0], $0xffff  }
0x23e: {  	[tilespmem:v5+s25+$0x0] =	vst.idx.msk $0xffff, v4;
	v4 =	vimm.s32 $0x0;
	v5 =	vlaneseq.u32  }
0x23f: {  	v8 =	vshll.u32 v4, $0x8;
	[tilespmem:v7+s25+$0x0] =	vst.idx.msk $0xffff, v9;
	v7 =	vshll.u32 v5, $0x3  }
0x240: {  	v8 =	vand.u32 $0xFFFFF800, v8;
	v9 =	vshll.u32 v4, $0x7;
	v7 =	vand.u32 $0xFFFFFC00, v7;
	[tilespmem:v3+s25+$0x0] =	vst.idx.msk $0xffff, v1  }
0x241: {  	[tilespmem:v6+s25+$0x0] =	vst.idx.msk $0xffff, v2;
	v2 =	vadd.s32 v8, v7;
	v6 =	vand.u32 $0x380, v9  }
0x242: {  	[tilespmem:v10+s25+$0x0] =	vst.idx.msk $0xffff, v12;
	v1 =	vor.u32 v6, v2;
	v2 =	vadd.s32 $0x10, v5  }
0x243: {  	v3 =	vand.u32 $0x7F, v5;
	[hbm4b:s18+s3] =	stream.linear.scatter [tilespmem:s25], [sflag:$0x3], $0x4000, $0x38;
	v5 =	vadd.s32 $0xFFFFFF48, v5;
	vm12 =	vgt.s32 v2, $0xC7;
	[tilespmem:$0x10080] =	vst v63  }
0x244: {  	_ =	swait.ge [sflag:s26], $0x4000;
	v1 =	vor.u32 v3, v1;
	v3 =	vsel vm12, $0x1, v0;
	v2 =	vsel vm12, v5, v2  }
0x245: {  	[sflag:s26] =	ssyncset.done $0x0;
	v5 =	vadd.s32 v3, v4;
	v6 =	vshll.u32 v2, $0x3;
	v3 =	vadd.s32 $0x10, v2  }
0x246: {  	[sflag:s26] =	ssyncadd.s32 $0xFFFFC000;
	v7 =	vadd.s32 $0xFFFFFF48, v2;
	v4 =	vshll.u32 v5, $0x8;
	vm13 =	vgt.s32 v3, $0xC7  }
0x247: {  	_ =	swait.ge [sflag:s30], $0x4000;
	v8 =	vand.u32 $0xFFFFF800, v4;
	v4 =	vsel vm13, $0x1, v0;
	v9 =	vsel vm13, v7, v3  }
0x248: {  	v6 =	vand.u32 $0xFFFFFC00, v6;
	[sflag:s30] =	ssyncset.done $0x0;
	v7 =	vadd.s32 v4, v5;
	v10 =	vshll.u32 v9, $0x3  }
0x249: {  	v3 =	vadd.s32 $0x10, v9;
	[sflag:s30] =	ssyncadd.s32 $0xFFFFC000;
	v11 =	vadd.s32 $0xFFFFFF48, v9;
	v5 =	vshll.u32 v5, $0x7  }
0x24a: {  	v6 =	vadd.s32 v6, v8;
	v4 =	vshll.u32 v7, $0x8;
	vm14 =	vgt.s32 v3, $0xC7;
	v57 =	vld.idx.msk [tilespmem:v1+s23+$0x0], $0xffff  }
0x24b: {  	v10 =	vand.u32 $0xFFFFFC00, v10;
	v5 =	vand.u32 $0x380, v5;
	v58 =	vand.u32 $0xFFFFF800, v4  }
0x24c: {  	v4 =	vsel vm14, $0x1, v0;
	v11 =	vsel vm14, v11, v3;
	v5 =	vor.u32 v5, v6  }
0x24d: {  	v6 =	vand.u32 $0x7F, v2;
	v2 =	vand.u32 $0x7F, v9;
	v59 =	vadd.s32 v4, v7  }
0x24e: {  	v3 =	vshll.u32 v11, $0x3;
	v4 =	vadd.s32 $0x10, v11;
	v61 =	vadd.s32 $0xFFFFFF48, v11  }
0x24f: {  	v7 =	vshll.u32 v7, $0x7;
	v10 =	vadd.s32 v10, v58;
	v11 =	vand.u32 $0x7F, v11  }
0x250: {  	v60 =	vshll.u32 v59, $0x8;
	vm15 =	vgt.s32 v4, $0xC7;
	v18 =	vand.u32 $0xFFFFFC00, v3  }
0x251: {  	v14 =	vshll.u32 v59, $0x7;
	v7 =	vand.u32 $0x380, v7;
	v17 =	vsel vm15, $0x1, v0  }
0x252: {  	v15 =	vand.u32 $0xFFFFF800, v60;
	v4 =	vsel vm15, v61, v4;
	v3 =	vadd.s32 v17, v59;
	v12 =	vld.idx.msk [tilespmem:v57+s3+$0x0], $0xffff  }
0x253: {  	v14 =	vand.u32 $0x380, v14;
	v16 =	vshll.u32 v4, $0x3;
	v17 =	vshll.u32 v3, $0x8  }
0x254: {  	v16 =	vand.u32 $0xFFFFFC00, v16;
	v19 =	vshll.u32 v3, $0x7;
	v17 =	vand.u32 $0xFFFFF800, v17  }
0x255: {  	v62 =	vadd.s32 v18, v15;
	v63 =	vand.u32 $0x380, v19;
	v8 =	vadd.s32 v17, v16  }
0x256: {  	v10 =	vor.u32 v7, v10;
	v13 =	vor.u32 v14, v62;
	v7 =	vor.u32 v63, v8  }
0x257: {  	s0 =	simm.s32 $0x4;
	v8 =	vand.u32 $0x7F, v4;
	[tilespmem:v1+s28+$0x0] =	vst.idx.msk $0xffff, v12;
	v1 =	vor.u32 v2, v10;
	v2 =	vor.u32 v11, v13  }
.LBB2_16:
0x258: {  	s0 =	sadd.s32 $0x4, s0;
	v9 =	vor.u32 v8, v7;
	v7 =	vadd.s32 $0x10, v4;
	v8 =	vor.u32 v6, v5  }
0x259: {  	v4 =	vadd.s32 $0xFFFFFF48, v4;
	p0 =	slt.u32 s0, $0x31C;
	vm0 =	vgt.s32 v7, $0xC7  }
0x25a: {  	v5 =	vsel vm0, $0x1, v0;
	v6 =	vsel vm0, v4, v7  }
0x25b: {  	v5 =	vadd.s32 v5, v3;
	v7 =	vshll.u32 v6, $0x3;
	v3 =	vadd.s32 $0x10, v6  }
0x25c: {  	v10 =	vadd.s32 $0xFFFFFF48, v6;
	v4 =	vshll.u32 v5, $0x8;
	vm0 =	vgt.s32 v3, $0xC7;
	v11 =	vld.idx.msk [tilespmem:v2+s23+$0x0], $0xffff  }
0x25d: {  	v12 =	vand.u32 $0xFFFFF800, v4;
	v4 =	vsel vm0, $0x1, v0;
	v10 =	vsel vm0, v10, v3;
	v13 =	vld.idx.msk [tilespmem:v1+s23+$0x0], $0xffff  }
0x25e: {  	v14 =	vadd.s32 v4, v5;
	v15 =	vshll.u32 v10, $0x3;
	v3 =	vadd.s32 $0x10, v10;
	v16 =	vld.idx.msk [tilespmem:v8+s23+$0x0], $0xffff  }
0x25f: {  	v18 =	vadd.s32 $0xFFFFFF48, v10;
	v17 =	vld.idx.msk [tilespmem:v9+s23+$0x0], $0xffff;
	v4 =	vshll.u32 v14, $0x8;
	vm0 =	vgt.s32 v3, $0xC7  }
0x260: {  	v19 =	vand.u32 $0xFFFFF800, v4;
	v4 =	vsel vm0, $0x1, v0;
	v18 =	vsel vm0, v18, v3  }
0x261: {  	v20 =	vadd.s32 v4, v14;
	v3 =	vshll.u32 v18, $0x3;
	v4 =	vadd.s32 $0x10, v18  }
0x262: {  	v22 =	vadd.s32 $0xFFFFFF48, v18;
	v21 =	vshll.u32 v20, $0x8;
	vm0 =	vgt.s32 v4, $0xC7  }
0x263: {  	v21 =	vand.u32 $0xFFFFF800, v21;
	v23 =	vsel vm0, $0x1, v0;
	v4 =	vsel vm0, v22, v4  }
0x264: {  	v24 =	vand.u32 $0xFFFFFC00, v3;
	v22 =	vshll.u32 v4, $0x3;
	v3 =	vadd.s32 v23, v20;
	v11 =	vld.idx.msk [tilespmem:v11+s3+$0x0], $0xffff  }
0x265: {  	v15 =	vand.u32 $0xFFFFFC00, v15;
	v20 =	vshll.u32 v20, $0x7;
	v23 =	vshll.u32 v3, $0x8;
	v13 =	vld.idx.msk [tilespmem:v13+s3+$0x0], $0xffff  }
0x266: {  	v7 =	vand.u32 $0xFFFFFC00, v7;
	v5 =	vshll.u32 v5, $0x7;
	v14 =	vshll.u32 v14, $0x7;
	v16 =	vld.idx.msk [tilespmem:v16+s3+$0x0], $0xffff  }
0x267: {  	v22 =	vand.u32 $0xFFFFFC00, v22;
	v25 =	vshll.u32 v3, $0x7;
	v23 =	vand.u32 $0xFFFFF800, v23;
	v17 =	vld.idx.msk [tilespmem:v17+s3+$0x0], $0xffff  }
0x268: {  	v15 =	vadd.s32 v15, v19;
	v19 =	vadd.s32 v24, v21;
	v20 =	vand.u32 $0x380, v20  }
.Ltmp7:
0x269: {  	v7 =	vadd.s32 v7, v12;
	v5 =	vand.u32 $0x380, v5;
	v12 =	vand.u32 $0x380, v14;
	(pc) =	sbr.rel @p0 .LBB2_16-.Ltmp7, $4  }
0x26a: {  	v21 =	vand.u32 $0x380, v25;
	v19 =	vor.u32 v20, v19;
	v14 =	vadd.s32 v23, v22;
	[tilespmem:v2+s28+$0x0] =	vst.idx.msk $0xffff, v11  }
0x26b: {  	v5 =	vor.u32 v5, v7;
	v2 =	vor.u32 v12, v15;
	v11 =	vand.u32 $0x7F, v18;
	[tilespmem:v1+s28+$0x0] =	vst.idx.msk $0xffff, v13  }
0x26c: {  	v6 =	vand.u32 $0x7F, v6;
	v7 =	vor.u32 v21, v14;
	v1 =	vand.u32 $0x7F, v10;
	[tilespmem:v8+s28+$0x0] =	vst.idx.msk $0xffff, v16  }
0x26d: {  	v8 =	vand.u32 $0x7F, v4;
	v1 =	vor.u32 v1, v2;
	v2 =	vor.u32 v11, v19;
	[tilespmem:v9+s28+$0x0] =	vst.idx.msk $0xffff, v17  }
0x26e: {  	v9 =	vadd.s32 $0x10, v4  }
0x26f: {  	v46 =	vadd.s32 $0xFFFFFF48, v4;
	v7 =	vor.u32 v8, v7;
	vm0 =	vgt.s32 v9, $0xC7  }
0x270: {  	v5 =	vor.u32 v6, v5;
	v4 =	vsel vm0, v46, v9;
	v48 =	vsel vm0, $0x1, v0  }
0x271: {  	v47 =	vadd.s32 $0x10, v4;
	v9 =	vadd.s32 $0xFFFFFF48, v4;
	v3 =	vadd.s32 v48, v3  }
0x272: {  	v49 =	vshll.u32 v4, $0x3;
	v4 =	vand.u32 $0x7F, v4;
	vm14 =	vgt.s32 v47, $0xC7  }
0x273: {  	v50 =	vshll.u32 v3, $0x8;
	v8 =	vand.u32 $0xFFFFFC00, v49;
	v6 =	vsel vm14, v9, v47  }
0x274: {  	v10 =	vsel vm14, $0x1, v0;
	v9 =	vand.u32 $0xFFFFF800, v50;
	v11 =	vadd.s32 $0x10, v6  }
0x275: {  	v10 =	vadd.s32 v10, v3;
	v12 =	vshll.u32 v6, $0x3;
	v13 =	vadd.s32 $0xFFFFFF48, v6  }
0x276: {  	v3 =	vshll.u32 v3, $0x7;
	v8 =	vadd.s32 v8, v9;
	v6 =	vand.u32 $0x7F, v6  }
0x277: {  	vm15 =	vgt.s32 v11, $0xC7;
	v15 =	vshll.u32 v10, $0x8;
	v12 =	vand.u32 $0xFFFFFC00, v12  }
0x278: {  	v3 =	vand.u32 $0x380, v3;
	v14 =	vsel vm15, $0x1, v0;
	v11 =	vsel vm15, v13, v11  }
0x279: {  	v52 =	vand.u32 $0xFFFFF800, v15;
	v3 =	vor.u32 v3, v8;
	v51 =	vadd.s32 v14, v10  }
0x27a: {  	v53 =	vshll.u32 v11, $0x3;
	v10 =	vshll.u32 v10, $0x7;
	v12 =	vadd.s32 v12, v52  }
0x27b: {  	v3 =	vor.u32 v4, v3;
	v16 =	vshll.u32 v51, $0x8;
	v15 =	vand.u32 $0xFFFFFC00, v53  }
0x27c: {  	v13 =	vshll.u32 v51, $0x7;
	v55 =	vand.u32 $0x380, v10;
	v16 =	vand.u32 $0xFFFFF800, v16  }
0x27d: {  	v58 =	vld.idx.msk [tilespmem:v1+s23+$0x0], $0xffff;
	v13 =	vand.u32 $0x380, v13;
	v9 =	vor.u32 v55, v12;
	v54 =	vadd.s32 v15, v16  }
0x27e: {  	v57 =	vld.idx.msk [tilespmem:v2+s23+$0x0], $0xffff;
	v11 =	vand.u32 $0x7F, v11;
	v6 =	vor.u32 v6, v9;
	v56 =	vor.u32 v13, v54  }
0x27f: {  	v10 =	vor.u32 v11, v56  }
0x280: {  	v59 =	vld.idx.msk [tilespmem:v5+s23+$0x0], $0xffff  }
0x281: {  	v60 =	vld.idx.msk [tilespmem:v7+s23+$0x0], $0xffff  }
0x282: {  	v63 =	vld.idx.msk [tilespmem:v3+s23+$0x0], $0xffff  }
0x283: {  	v62 =	vld.idx.msk [tilespmem:v6+s23+$0x0], $0xffff  }
0x284: {  	v61 =	vld.idx.msk [tilespmem:v10+s23+$0x0], $0xffff  }
0x285: {  	v8 =	vld.idx.msk [tilespmem:v58+s3+$0x0], $0xffff  }
0x286: {  	v11 =	vld.idx.msk [tilespmem:v57+s3+$0x0], $0xffff;
	_ =	sdelay $0x1  }
0x287: {  	v4 =	vld.idx.msk [tilespmem:v59+s3+$0x0], $0xffff  }
0x288: {  	v9 =	vld.idx.msk [tilespmem:v60+s3+$0x0], $0xffff  }
0x289: {  	[tilespmem:v1+s28+$0x0] =	vst.idx.msk $0xffff, v8;
	v1 =	vld.idx.msk [tilespmem:v63+s3+$0x0], $0xffff  }
0x28a: {  	[tilespmem:v2+s28+$0x0] =	vst.idx.msk $0xffff, v11;
	v2 =	vld.idx.msk [tilespmem:v62+s3+$0x0], $0xffff  }
0x28b: {  	v12 =	vld.idx.msk [tilespmem:v61+s3+$0x0], $0xffff  }
0x28c: {  	[tilespmem:v5+s28+$0x0] =	vst.idx.msk $0xffff, v4  }
0x28d: {  	[tilespmem:v7+s28+$0x0] =	vst.idx.msk $0xffff, v9  }
0x28e: {  	[tilespmem:v3+s28+$0x0] =	vst.idx.msk $0xffff, v1  }
0x28f: {  	[tilespmem:v6+s28+$0x0] =	vst.idx.msk $0xffff, v2  }
0x290: {  	s31 =	sadd.s32 $0x1, s31;
	[tilespmem:v10+s28+$0x0] =	vst.idx.msk $0xffff, v12  }
0x291: {  	[hbm4b:s19+s3] =	stream.linear.scatter [tilespmem:s28], [sflag:$0x4], $0x4000, $0x38;
	[tilespmem:$0x10080] =	vst v63  }
0x292: {  	p0 =	sne.s32 s31, s20;
	_ =	swait.ge [sflag:s29], $0x4000  }
.Ltmp8:
0x293: {  	[sflag:s29] =	ssyncset.done $0x0;
	(pc) =	sbr.rel @p0 .LBB2_1-.Ltmp8, $4  }
0x294: {  	[sflag:s29] =	ssyncadd.s32 $0xFFFFC000  }
0x295: {  	_ =	swait.ge [sflag:s30], $0x4000  }
0x296: {  	[sflag:s30] =	ssyncset.done $0x0  }
0x297: {  	[sflag:s30] =	ssyncadd.s32 $0xFFFFC000  }
0x298: {  	_ =	sfence.sel $0x180000  }
0x299: {  	[bflag:$0x0] =	sbarrier.arrive $0xFFFF  }
0x29a: {  	_ =	strace $0x90000047  }
0x29b: {  	[bflag:$0x2] =	sbarrier.arrive $0xFFFF  }
0x29c: {  	p0 =	sne.s32 s2, $0x0;
	s0 =	rddreg [dreg:$0x2]  }
0x29d: {  	s0 =	sadd.s32 @!p0 $0x100000, s0  }
0x29e: {  	[sflag:s0] =	ssyncadd.tile.s32 @!p0 $0x1;
	_ =	shalt  }
.Lfunc_end2:
_tile_overlayer_lowered:
.L_overlay_start_2:
0x29f: {  	(tag) =	ssettag $0x2  }
0x2a0: {  	s0 =	rddreg [dreg:$0x0];
	s2 =	stileid.u32  }
0x2a1: {  	s1 =	rddreg [dreg:$0x1];
	p0 =	sne.s32 s2, $0x0  }
0x2a2: {  	s3 =	rddreg [dreg:$0x2];
	[bflag:$0x3] =	sbarrier.arrive $0xFFFF;
	s2 =	simm.s32 @!p0 $0x1C05  }
0x2a3: {  	[timem:s3], [sflag:s2] =	dma.local @!p0 [hbm:s0], s1  }
0x2a4: {  	s0 =	simm.s32 @!p0 $0x5  }
0x2a5: {  	_ =	swait.ge @!p0 [sflag:s0], s1  }
0x2a6: {  	s1 =	ssub.s32 @!p0 $0x0, s1;
	[sflag:s0] =	ssyncset.done @!p0 $0x0  }
0x2a7: {  	[sflag:s0] =	ssyncadd.s32 @!p0 s1  }
0x2a8: {  	[bflag:$0x3] =	sbarrier.arrive $0xFFFF  }
0x2a9: {  	_ =	shalt  }

</sc_bundles>
